<compile_context>
chip_gen: v7x
topology: tpu7x:2x2x1
jax: 0.10.2.dev20260603
libtpu: 0.0.44.dev20260713+nightly
codegen_flags: <defaults>
</compile_context>

<pallas_src>
import functools

import jax
import jax.numpy as jnp
from jax import lax
from jax.experimental import pallas as pl
from jax.experimental.pallas import tpu as pltpu
from jax.experimental.pallas import tpu_sc as plsc

VOCAB = 1000000
MAXLEN = 200
EMBED = 64
BATCH = 1024
SPLIT = 507904

_info = plsc.get_sparse_core_info()
_NC, _NS, _L = _info.num_cores, _info.num_subcores, _info.num_lanes
_NW = _NC * _NS


def _build(B, L, E):
    assert B % _NW == 0 and E % _L == 0
    rows_per_w = B // _NW
    assert rows_per_w % 2 == 0
    mesh = plsc.VectorSubcoreMesh(core_axis_name="c", subcore_axis_name="s")
    n_idx = rows_per_w * L

    @functools.partial(
        pl.kernel,
        mesh=mesh,
        compiler_params=pltpu.CompilerParams(use_tc_tiling_on_sc=False),
        out_type=jax.ShapeDtypeStruct((B, L, 2 * E), jnp.float32),
        scratch_types=[
            pltpu.VMEM((n_idx,), jnp.int32),
            pltpu.VMEM((n_idx,), jnp.int32),
            pltpu.VMEM((L, E), jnp.float32),
            pltpu.VMEM((L, E), jnp.float32),
            pltpu.VMEM((L, E), jnp.float32),
            pltpu.SemaphoreType.DMA,
            pltpu.SemaphoreType.DMA,
            pltpu.SemaphoreType.DMA,
            pltpu.SemaphoreType.DMA,
        ],
    )
    def k(x_hbm, tok_hbm, pos_hbm, out_hbm, idx_all, row_all, rows0, rows1,
          pos_v, gsem0, gsem1, osem0, osem1):
        wid = lax.axis_index("s") * _NC + lax.axis_index("c")
        base = wid * rows_per_w
        bufs = (rows0, rows1)
        gsems = (gsem0, gsem1)
        osems = (osem0, osem1)

        pltpu.sync_copy(x_hbm.at[pl.ds(base * L, n_idx)], idx_all)
        pltpu.sync_copy(pos_hbm, pos_v)

        @plsc.parallel_loop(0, n_idx // _L, unroll=4)
        def to_rows(c):
            sl = pl.ds(c * _L, _L)
            v = idx_all[sl]
            row_all[sl] = jnp.where(v < SPLIT, 2 * v, 2 * v - (2 * SPLIT - 1))

        def fire_gather(r, b):
            pltpu.async_copy(
                tok_hbm.at[row_all.at[pl.ds(r * L, 128)]],
                bufs[b].at[pl.ds(0, 128)], gsems[b])
            pltpu.async_copy(
                tok_hbm.at[row_all.at[pl.ds(r * L + 128, L - 128)]],
                bufs[b].at[pl.ds(128, L - 128)], gsems[b])

        def wait_gather(b):
            pltpu.make_async_copy(
                tok_hbm.at[row_all.at[pl.ds(0, 128)]],
                bufs[b].at[pl.ds(0, 128)], gsems[b]).wait()
            pltpu.make_async_copy(
                tok_hbm.at[row_all.at[pl.ds(0, L - 128)]],
                bufs[b].at[pl.ds(128, L - 128)], gsems[b]).wait()

        def wait_out(b):
            pltpu.make_async_copy(
                bufs[b], out_hbm.at[0, :, pl.ds(0, E)], osems[b]).wait()

        fire_gather(0, 0)
        fire_gather(1, 1)

        @pl.loop(0, rows_per_w, step=2)
        def per_pair(g):
            for b in range(2):
                r = g + b
                wait_gather(b)

                @plsc.parallel_loop(0, L, unroll=2)
                def add_pos(l):
                    for j in range(E // _L):
                        sl = pl.ds(j * _L, _L)
                        bufs[b][l, sl] = bufs[b][l, sl] + pos_v[l, sl]

                pltpu.async_copy(
                    bufs[b], out_hbm.at[base + r, :, pl.ds(0, E)], osems[b])

            @pl.when(g + 2 < rows_per_w)
            def _():
                for b in range(2):
                    wait_out(b)
                    fire_gather(g + 2 + b, b)

        wait_out(0)
        wait_out(1)

    return k


_emb = _build(BATCH, MAXLEN, EMBED)

_TP_VB = 16384
_TP_NB = SPLIT // _TP_VB
_TP_LAST = VOCAB // _TP_VB


def _tp_body(a_ref, b_ref, o_ref):
    o_ref[...] = jnp.transpose(
        jnp.concatenate([a_ref[...], b_ref[...]], axis=0), (1, 0))


_pack_table = pl.pallas_call(
    _tp_body,
    grid=(_TP_NB,),
    in_specs=[
        pl.BlockSpec((EMBED, _TP_VB), lambda i: (0, i)),
        pl.BlockSpec((EMBED, _TP_VB),
                     lambda i: (0, jnp.minimum(i + _TP_NB, _TP_LAST))),
    ],
    out_specs=pl.BlockSpec((_TP_VB, 2 * EMBED), lambda i: (i, 0)),
    out_shape=jax.ShapeDtypeStruct((SPLIT, 2 * EMBED), jnp.float32),
)


def kernel(x, token_table, pos_table):
    xf = x.reshape(-1).astype(jnp.int32)
    tt_t = token_table.T
    tt = _pack_table(tt_t, tt_t).reshape(2 * SPLIT, EMBED)
    out = _emb(xf, tt, pos_table)
    return out[:, :, :EMBED]

# --- scband reference (transcript-rebuilt; emitter-appended) ---
"""Pipeline reference for scband-token-and-position-embedding-26371099197560 (READ-ONLY COPY).

The authoritative reference and input builder live on the scoring server;
editing this copy changes nothing except your own understanding.
"""

import jax, jax.numpy as jnp
import numpy as np

VOCAB = 1000000
MAXLEN = 200
EMBED = 64
BATCH = 1024


def setup_inputs(seed: int = 0) -> dict:
    key = jax.random.key(seed)
    k1, k2, k3 = jax.random.split(key, 3)
    x = jax.random.randint(k1, (BATCH, MAXLEN), 0, VOCAB, dtype=jnp.int64 if jax.config.read('jax_enable_x64') else jnp.int32)
    token_table = jax.random.normal(k2, (VOCAB, EMBED), dtype=jnp.float32) * 0.02
    pos_table = jax.random.normal(k3, (MAXLEN, EMBED), dtype=jnp.float32) * 0.02
    return {"x": x, "token_table": token_table, "pos_table": pos_table}


def reference(x, token_table, pos_table):
    # length = tf.shape(x)[1]; positions = tf.range(length)
    length = x.shape[1]
    positions = jnp.arange(0, length)
    # pos_emb(positions) -> [L, E]
    pos = jnp.take(pos_table, positions, axis=0)
    # token_emb(x) -> [B, L, E]
    tok = jnp.take(token_table, x, axis=0)
    # broadcast add: [B, L, E] + [L, E]
    return tok + pos

if __name__ == "__main__":
    import jax
    _d = setup_inputs()
    print(jax.jit(kernel)(*tuple(_d.values())))

</pallas_src>

<mosaic_0001>
#map = affine_map<(d0, d1) -> (0)>
#map1 = affine_map<(d0, d1) -> (0, 0)>
#map2 = affine_map<(d0, d1) -> (0, 0, 0)>
module attributes {stable_mosaic.version = 14 : i64} {
  func.func @k(%arg0: i32, %arg1: i32, %arg2: memref<204800xi32, #tpu.memory_space<hbm>>, %arg3: memref<1015808x64xf32, #tpu.memory_space<hbm>>, %arg4: memref<200x64xf32, #tpu.memory_space<hbm>>, %arg5: memref<1024x200x128xf32, #tpu.memory_space<hbm>>, %arg6: memref<6400xi32, #tpu.memory_space<vmem>>, %arg7: memref<6400xi32, #tpu.memory_space<vmem>>, %arg8: memref<200x64xf32, #tpu.memory_space<vmem>>, %arg9: memref<200x64xf32, #tpu.memory_space<vmem>>, %arg10: memref<200x64xf32, #tpu.memory_space<vmem>>, %arg11: memref<!tpu.dma_semaphore, #tpu.memory_space<semaphore_mem>>, %arg12: memref<!tpu.dma_semaphore, #tpu.memory_space<semaphore_mem>>, %arg13: memref<!tpu.dma_semaphore, #tpu.memory_space<semaphore_mem>>, %arg14: memref<!tpu.dma_semaphore, #tpu.memory_space<semaphore_mem>>) attributes {dimension_semantics = [#tpu.dimension_semantics<core_parallel>, #tpu.dimension_semantics<subcore_parallel>], iteration_bounds = array<i64: 2, 16>, scalar_prefetch = 0 : i64, scratch_operands = 9 : i64, tpu.core_type = #tpu.core_type<sc_vector_subcore>, window_params = [{transform_indices = #map}, {transform_indices = #map1}, {transform_indices = #map1}, {transform_indices = #map2}]} {
    %mul3A = arith.constant 2 : i32
    %mul3A_0 = arith.muli %arg1, %mul3A : i32
    %add3A = arith.addi %mul3A_0, %arg0 : i32
    %mul3A_1 = arith.constant 32 : i32
    %mul3A_2 = arith.muli %add3A, %mul3A_1 : i32
    %mul3A_3 = arith.constant 200 : i32
    %mul3A_4 = arith.muli %mul3A_2, %mul3A_3 : i32
    "tpu.region"() ({
      %run_scoped3A = tpu.sem_alloc : memref<!tpu.dma_semaphore, #tpu.memory_space<semaphore_mem>>
      %dma_start3A_59 = tpu.memref_slice %arg2[%mul3A_4] : memref<204800xi32, #tpu.memory_space<hbm>> -> memref<6400xi32, #tpu.memory_space<hbm>>
      %dma_start3A_60 = tpu.memref_slice %arg2[%mul3A_4] : memref<204800xi32, #tpu.memory_space<hbm>> -> memref<6400xi32, #tpu.memory_space<hbm>>
      tpu.enqueue_dma source(%dma_start3A_60 : memref<6400xi32, #tpu.memory_space<hbm>>) target(%arg6 : memref<6400xi32, #tpu.memory_space<vmem>>) target_semaphore(%run_scoped3A : memref<!tpu.dma_semaphore, #tpu.memory_space<semaphore_mem>>)
      %dma_wait3A_61 = tpu.memref_slice %arg2[%mul3A_4] : memref<204800xi32, #tpu.memory_space<hbm>> -> memref<6400xi32, #tpu.memory_space<hbm>>
      %dma_wait3A_62 = tpu.memref_slice %arg2[%mul3A_4] : memref<204800xi32, #tpu.memory_space<hbm>> -> memref<6400xi32, #tpu.memory_space<hbm>>
      tpu.wait_dma2 semaphore(%run_scoped3A : memref<!tpu.dma_semaphore, #tpu.memory_space<semaphore_mem>>) src(%dma_wait3A_62 : memref<6400xi32, #tpu.memory_space<hbm>>) dst(%arg6 : memref<6400xi32, #tpu.memory_space<vmem>>)
      tpu.yield
    }) : () -> ()
    "tpu.region"() ({
      %run_scoped3A = tpu.sem_alloc : memref<!tpu.dma_semaphore, #tpu.memory_space<semaphore_mem>>
      tpu.enqueue_dma source(%arg4 : memref<200x64xf32, #tpu.memory_space<hbm>>) target(%arg10 : memref<200x64xf32, #tpu.memory_space<vmem>>) target_semaphore(%run_scoped3A : memref<!tpu.dma_semaphore, #tpu.memory_space<semaphore_mem>>)
      tpu.wait_dma2 semaphore(%run_scoped3A : memref<!tpu.dma_semaphore, #tpu.memory_space<semaphore_mem>>) src(%arg4 : memref<200x64xf32, #tpu.memory_space<hbm>>) dst(%arg10 : memref<200x64xf32, #tpu.memory_space<vmem>>)
      tpu.yield
    }) : () -> ()
    %parallel_loop3A = arith.constant 0 : i32
    %parallel_loop3A_5 = arith.constant 400 : i32
    %parallel_loop3A_6 = arith.constant 1 : i32
    scf.for %parallel_loop3A_59 = %parallel_loop3A to %parallel_loop3A_5 step %parallel_loop3A_6  : i32 {
      %parallel_loop3A_60 = arith.constant 16 : i32
      %parallel_loop3A_61 = arith.muli %parallel_loop3A_59, %parallel_loop3A_60 : i32
      %parallel_loop3A_62 = arith.index_cast %parallel_loop3A_61 : i32 to index
      %parallel_loop3A_63 = tpu.vector_load %arg6[%parallel_loop3A_62] {strides = array<i32>} : memref<6400xi32, #tpu.memory_space<vmem>>, vector<16xi32>,
      %parallel_loop3A_64 = vector.shape_cast %parallel_loop3A_63 : vector<16xi32> to vector<16xi32>
      %parallel_loop3A_65 = arith.constant 507904 : i32
      %parallel_loop3A_66 = vector.broadcast %parallel_loop3A_65 : i32 to vector<16xi32>
      %parallel_loop3A_67 = arith.cmpi slt, %parallel_loop3A_64, %parallel_loop3A_66 : vector<16xi32>
      %parallel_loop3A_68 = arith.constant 2 : i32
      %parallel_loop3A_69 = vector.broadcast %parallel_loop3A_68 : i32 to vector<16xi32>
      %parallel_loop3A_70 = arith.muli %parallel_loop3A_69, %parallel_loop3A_64 : vector<16xi32>
      %parallel_loop3A_71 = arith.constant 2 : i32
      %parallel_loop3A_72 = vector.broadcast %parallel_loop3A_71 : i32 to vector<16xi32>
      %parallel_loop3A_73 = arith.muli %parallel_loop3A_72, %parallel_loop3A_64 : vector<16xi32>
      %parallel_loop3A_74 = arith.constant 1015807 : i32
      %parallel_loop3A_75 = vector.broadcast %parallel_loop3A_74 : i32 to vector<16xi32>
      %parallel_loop3A_76 = arith.subi %parallel_loop3A_73, %parallel_loop3A_75 : vector<16xi32>
      %parallel_loop3A_77 = arith.select %parallel_loop3A_67, %parallel_loop3A_70, %parallel_loop3A_76 : vector<16xi1>, vector<16xi32>
      %parallel_loop3A_78 = arith.index_cast %parallel_loop3A_61 : i32 to index
      %parallel_loop3A_79 = tpu.vector_load %arg7[%parallel_loop3A_78] {strides = array<i32>} : memref<6400xi32, #tpu.memory_space<vmem>>, vector<16xi32>,
      %parallel_loop3A_80 = vector.shape_cast %parallel_loop3A_79 : vector<16xi32> to vector<16xi32>
      %parallel_loop3A_81 = vector.shape_cast %parallel_loop3A_77 : vector<16xi32> to vector<16xi32>
      tpu.vector_store %arg7[%parallel_loop3A_78], %parallel_loop3A_81 {strides = array<i32>} : memref<6400xi32, #tpu.memory_space<vmem>>, vector<16xi32>,
    } {sc.loop_unroll_factor = 4 : i64, sc.parallel_access}
    %dma_start3A = arith.constant 0 : i32
    %dma_start3A_7 = arith.constant 0 : i32
    %dma_start3A_8 = tpu.memref_slice %arg8[%dma_start3A, %dma_start3A_7] : memref<200x64xf32, #tpu.memory_space<vmem>> -> memref<128x64xf32, #tpu.memory_space<vmem>>
    %dma_start3A_9 = arith.constant 0 : i32
    %dma_start3A_10 = tpu.memref_slice %arg7[%dma_start3A_9] : memref<6400xi32, #tpu.memory_space<vmem>> -> memref<128xi32, #tpu.memory_space<vmem>>
    %dma_start3A_11 = arith.constant 0 : i32
    %dma_start3A_12 = arith.constant 0 : i32
    %dma_start3A_13 = tpu.memref_slice %arg3[%dma_start3A_11, %dma_start3A_12] : memref<1015808x64xf32, #tpu.memory_space<hbm>> -> memref<1015808x64xf32, #tpu.memory_space<hbm>>
    tpu.enqueue_indirect_dma source(%dma_start3A_13 : memref<1015808x64xf32, #tpu.memory_space<hbm>>) target(%dma_start3A_8 : memref<128x64xf32, #tpu.memory_space<vmem>>) offsets(%dma_start3A_10 : memref<128xi32, #tpu.memory_space<vmem>>) semaphore(%arg11 : memref<!tpu.dma_semaphore, #tpu.memory_space<semaphore_mem>>)
    %dma_start3A_14 = arith.constant 128 : i32
    %dma_start3A_15 = arith.constant 0 : i32
    %dma_start3A_16 = tpu.memref_slice %arg8[%dma_start3A_14, %dma_start3A_15] : memref<200x64xf32, #tpu.memory_space<vmem>> -> memref<72x64xf32, #tpu.memory_space<vmem>>
    %dma_start3A_17 = arith.constant 128 : i32
    %dma_start3A_18 = tpu.memref_slice %arg7[%dma_start3A_17] : memref<6400xi32, #tpu.memory_space<vmem>> -> memref<72xi32, #tpu.memory_space<vmem>>
    %dma_start3A_19 = arith.constant 0 : i32
    %dma_start3A_20 = arith.constant 0 : i32
    %dma_start3A_21 = tpu.memref_slice %arg3[%dma_start3A_19, %dma_start3A_20] : memref<1015808x64xf32, #tpu.memory_space<hbm>> -> memref<1015808x64xf32, #tpu.memory_space<hbm>>
    tpu.enqueue_indirect_dma source(%dma_start3A_21 : memref<1015808x64xf32, #tpu.memory_space<hbm>>) target(%dma_start3A_16 : memref<72x64xf32, #tpu.memory_space<vmem>>) offsets(%dma_start3A_18 : memref<72xi32, #tpu.memory_space<vmem>>) semaphore(%arg11 : memref<!tpu.dma_semaphore, #tpu.memory_space<semaphore_mem>>)
    %dma_start3A_22 = arith.constant 0 : i32
    %dma_start3A_23 = arith.constant 0 : i32
    %dma_start3A_24 = tpu.memref_slice %arg9[%dma_start3A_22, %dma_start3A_23] : memref<200x64xf32, #tpu.memory_space<vmem>> -> memref<128x64xf32, #tpu.memory_space<vmem>>
    %dma_start3A_25 = arith.constant 200 : i32
    %dma_start3A_26 = tpu.memref_slice %arg7[%dma_start3A_25] : memref<6400xi32, #tpu.memory_space<vmem>> -> memref<128xi32, #tpu.memory_space<vmem>>
    %dma_start3A_27 = arith.constant 0 : i32
    %dma_start3A_28 = arith.constant 0 : i32
    %dma_start3A_29 = tpu.memref_slice %arg3[%dma_start3A_27, %dma_start3A_28] : memref<1015808x64xf32, #tpu.memory_space<hbm>> -> memref<1015808x64xf32, #tpu.memory_space<hbm>>
    tpu.enqueue_indirect_dma source(%dma_start3A_29 : memref<1015808x64xf32, #tpu.memory_space<hbm>>) target(%dma_start3A_24 : memref<128x64xf32, #tpu.memory_space<vmem>>) offsets(%dma_start3A_26 : memref<128xi32, #tpu.memory_space<vmem>>) semaphore(%arg12 : memref<!tpu.dma_semaphore, #tpu.memory_space<semaphore_mem>>)
    %dma_start3A_30 = arith.constant 128 : i32
    %dma_start3A_31 = arith.constant 0 : i32
    %dma_start3A_32 = tpu.memref_slice %arg9[%dma_start3A_30, %dma_start3A_31] : memref<200x64xf32, #tpu.memory_space<vmem>> -> memref<72x64xf32, #tpu.memory_space<vmem>>
    %dma_start3A_33 = arith.constant 328 : i32
    %dma_start3A_34 = tpu.memref_slice %arg7[%dma_start3A_33] : memref<6400xi32, #tpu.memory_space<vmem>> -> memref<72xi32, #tpu.memory_space<vmem>>
    %dma_start3A_35 = arith.constant 0 : i32
    %dma_start3A_36 = arith.constant 0 : i32
    %dma_start3A_37 = tpu.memref_slice %arg3[%dma_start3A_35, %dma_start3A_36] : memref<1015808x64xf32, #tpu.memory_space<hbm>> -> memref<1015808x64xf32, #tpu.memory_space<hbm>>
    tpu.enqueue_indirect_dma source(%dma_start3A_37 : memref<1015808x64xf32, #tpu.memory_space<hbm>>) target(%dma_start3A_32 : memref<72x64xf32, #tpu.memory_space<vmem>>) offsets(%dma_start3A_34 : memref<72xi32, #tpu.memory_space<vmem>>) semaphore(%arg12 : memref<!tpu.dma_semaphore, #tpu.memory_space<semaphore_mem>>)
    %scan3A = arith.constant 0 : i32
    %scan3A_38 = arith.constant 16 : i32
    %scan3A_39 = arith.addi %scan3A, %scan3A_38 : i32
    %scan3A_40 = arith.constant 1 : i32
    scf.for %scan3A_59 = %scan3A to %scan3A_39 step %scan3A_40  : i32 {
      %mul3A_60 = arith.constant 2 : i32
      %mul3A_61 = arith.muli %scan3A_59, %mul3A_60 : i32
      %add3A_62 = arith.constant 0 : i32
      %add3A_63 = arith.addi %add3A_62, %mul3A_61 : i32
      %add3A_64 = arith.constant 0 : i32
      %add3A_65 = arith.addi %add3A_63, %add3A_64 : i32
      %dma_wait3A_66 = arith.constant 0 : i32
      %dma_wait3A_67 = arith.constant 0 : i32
      %dma_wait3A_68 = tpu.memref_slice %arg8[%dma_wait3A_66, %dma_wait3A_67] : memref<200x64xf32, #tpu.memory_space<vmem>> -> memref<128x64xf32, #tpu.memory_space<vmem>>
      %dma_wait3A_69 = arith.constant 0 : i32
      %dma_wait3A_70 = tpu.memref_slice %arg7[%dma_wait3A_69] : memref<6400xi32, #tpu.memory_space<vmem>> -> memref<128xi32, #tpu.memory_space<vmem>>
      %dma_wait3A_71 = arith.constant 0 : i32
      %dma_wait3A_72 = arith.constant 0 : i32
      %dma_wait3A_73 = tpu.memref_slice %arg3[%dma_wait3A_71, %dma_wait3A_72] : memref<1015808x64xf32, #tpu.memory_space<hbm>> -> memref<1015808x64xf32, #tpu.memory_space<hbm>>
      tpu.wait_indirect_dma semaphore(%arg11 : memref<!tpu.dma_semaphore, #tpu.memory_space<semaphore_mem>>) src(%dma_wait3A_73 : memref<1015808x64xf32, #tpu.memory_space<hbm>>) dst(%dma_wait3A_68 : memref<128x64xf32, #tpu.memory_space<vmem>>)
      %dma_wait3A_74 = arith.constant 128 : i32
      %dma_wait3A_75 = arith.constant 0 : i32
      %dma_wait3A_76 = tpu.memref_slice %arg8[%dma_wait3A_74, %dma_wait3A_75] : memref<200x64xf32, #tpu.memory_space<vmem>> -> memref<72x64xf32, #tpu.memory_space<vmem>>
      %dma_wait3A_77 = arith.constant 0 : i32
      %dma_wait3A_78 = tpu.memref_slice %arg7[%dma_wait3A_77] : memref<6400xi32, #tpu.memory_space<vmem>> -> memref<72xi32, #tpu.memory_space<vmem>>
      %dma_wait3A_79 = arith.constant 0 : i32
      %dma_wait3A_80 = arith.constant 0 : i32
      %dma_wait3A_81 = tpu.memref_slice %arg3[%dma_wait3A_79, %dma_wait3A_80] : memref<1015808x64xf32, #tpu.memory_space<hbm>> -> memref<1015808x64xf32, #tpu.memory_space<hbm>>
      tpu.wait_indirect_dma semaphore(%arg11 : memref<!tpu.dma_semaphore, #tpu.memory_space<semaphore_mem>>) src(%dma_wait3A_81 : memref<1015808x64xf32, #tpu.memory_space<hbm>>) dst(%dma_wait3A_76 : memref<72x64xf32, #tpu.memory_space<vmem>>)
      %parallel_loop3A_82 = arith.constant 0 : i32
      %parallel_loop3A_83 = arith.constant 200 : i32
      %parallel_loop3A_84 = arith.constant 1 : i32
      scf.for %parallel_loop3A_128 = %parallel_loop3A_82 to %parallel_loop3A_83 step %parallel_loop3A_84  : i32 {
        %parallel_loop3A_129 = arith.index_cast %parallel_loop3A_128 : i32 to index
        %parallel_loop3A_130 = arith.constant 0 : index
        %parallel_loop3A_131 = tpu.vector_load %arg8[%parallel_loop3A_129, %parallel_loop3A_130] {strides = array<i32>} : memref<200x64xf32, #tpu.memory_space<vmem>>, vector<1x16xf32>,
        %parallel_loop3A_132 = vector.shape_cast %parallel_loop3A_131 : vector<1x16xf32> to vector<16xf32>
        %parallel_loop3A_133 = arith.index_cast %parallel_loop3A_128 : i32 to index
        %parallel_loop3A_134 = arith.constant 0 : index
        %parallel_loop3A_135 = tpu.vector_load %arg10[%parallel_loop3A_133, %parallel_loop3A_134] {strides = array<i32>} : memref<200x64xf32, #tpu.memory_space<vmem>>, vector<1x16xf32>,
        %parallel_loop3A_136 = vector.shape_cast %parallel_loop3A_135 : vector<1x16xf32> to vector<16xf32>
        %parallel_loop3A_137 = arith.addf %parallel_loop3A_132, %parallel_loop3A_136 : vector<16xf32>
        %parallel_loop3A_138 = arith.index_cast %parallel_loop3A_128 : i32 to index
        %parallel_loop3A_139 = arith.constant 0 : index
        %parallel_loop3A_140 = tpu.vector_load %arg8[%parallel_loop3A_138, %parallel_loop3A_139] {strides = array<i32>} : memref<200x64xf32, #tpu.memory_space<vmem>>, vector<1x16xf32>,
        %parallel_loop3A_141 = vector.shape_cast %parallel_loop3A_140 : vector<1x16xf32> to vector<16xf32>
        %parallel_loop3A_142 = vector.shape_cast %parallel_loop3A_137 : vector<16xf32> to vector<1x16xf32>
        tpu.vector_store %arg8[%parallel_loop3A_138, %parallel_loop3A_139], %parallel_loop3A_142 {strides = array<i32>} : memref<200x64xf32, #tpu.memory_space<vmem>>, vector<1x16xf32>,
        %parallel_loop3A_143 = arith.index_cast %parallel_loop3A_128 : i32 to index
        %parallel_loop3A_144 = arith.constant 16 : index
        %parallel_loop3A_145 = tpu.vector_load %arg8[%parallel_loop3A_143, %parallel_loop3A_144] {strides = array<i32>} : memref<200x64xf32, #tpu.memory_space<vmem>>, vector<1x16xf32>,
        %parallel_loop3A_146 = vector.shape_cast %parallel_loop3A_145 : vector<1x16xf32> to vector<16xf32>
        %parallel_loop3A_147 = arith.index_cast %parallel_loop3A_128 : i32 to index
        %parallel_loop3A_148 = arith.constant 16 : index
        %parallel_loop3A_149 = tpu.vector_load %arg10[%parallel_loop3A_147, %parallel_loop3A_148] {strides = array<i32>} : memref<200x64xf32, #tpu.memory_space<vmem>>, vector<1x16xf32>,
        %parallel_loop3A_150 = vector.shape_cast %parallel_loop3A_149 : vector<1x16xf32> to vector<16xf32>
        %parallel_loop3A_151 = arith.addf %parallel_loop3A_146, %parallel_loop3A_150 : vector<16xf32>
        %parallel_loop3A_152 = arith.index_cast %parallel_loop3A_128 : i32 to index
        %parallel_loop3A_153 = arith.constant 16 : index
        %parallel_loop3A_154 = tpu.vector_load %arg8[%parallel_loop3A_152, %parallel_loop3A_153] {strides = array<i32>} : memref<200x64xf32, #tpu.memory_space<vmem>>, vector<1x16xf32>,
        %parallel_loop3A_155 = vector.shape_cast %parallel_loop3A_154 : vector<1x16xf32> to vector<16xf32>
        %parallel_loop3A_156 = vector.shape_cast %parallel_loop3A_151 : vector<16xf32> to vector<1x16xf32>
        tpu.vector_store %arg8[%parallel_loop3A_152, %parallel_loop3A_153], %parallel_loop3A_156 {strides = array<i32>} : memref<200x64xf32, #tpu.memory_space<vmem>>, vector<1x16xf32>,
        %parallel_loop3A_157 = arith.index_cast %parallel_loop3A_128 : i32 to index
        %parallel_loop3A_158 = arith.constant 32 : index
        %parallel_loop3A_159 = tpu.vector_load %arg8[%parallel_loop3A_157, %parallel_loop3A_158] {strides = array<i32>} : memref<200x64xf32, #tpu.memory_space<vmem>>, vector<1x16xf32>,
        %parallel_loop3A_160 = vector.shape_cast %parallel_loop3A_159 : vector<1x16xf32> to vector<16xf32>
        %parallel_loop3A_161 = arith.index_cast %parallel_loop3A_128 : i32 to index
        %parallel_loop3A_162 = arith.constant 32 : index
        %parallel_loop3A_163 = tpu.vector_load %arg10[%parallel_loop3A_161, %parallel_loop3A_162] {strides = array<i32>} : memref<200x64xf32, #tpu.memory_space<vmem>>, vector<1x16xf32>,
        %parallel_loop3A_164 = vector.shape_cast %parallel_loop3A_163 : vector<1x16xf32> to vector<16xf32>
        %parallel_loop3A_165 = arith.addf %parallel_loop3A_160, %parallel_loop3A_164 : vector<16xf32>
        %parallel_loop3A_166 = arith.index_cast %parallel_loop3A_128 : i32 to index
        %parallel_loop3A_167 = arith.constant 32 : index
        %parallel_loop3A_168 = tpu.vector_load %arg8[%parallel_loop3A_166, %parallel_loop3A_167] {strides = array<i32>} : memref<200x64xf32, #tpu.memory_space<vmem>>, vector<1x16xf32>,
        %parallel_loop3A_169 = vector.shape_cast %parallel_loop3A_168 : vector<1x16xf32> to vector<16xf32>
        %parallel_loop3A_170 = vector.shape_cast %parallel_loop3A_165 : vector<16xf32> to vector<1x16xf32>
        tpu.vector_store %arg8[%parallel_loop3A_166, %parallel_loop3A_167], %parallel_loop3A_170 {strides = array<i32>} : memref<200x64xf32, #tpu.memory_space<vmem>>, vector<1x16xf32>,
        %parallel_loop3A_171 = arith.index_cast %parallel_loop3A_128 : i32 to index
        %parallel_loop3A_172 = arith.constant 48 : index
        %parallel_loop3A_173 = tpu.vector_load %arg8[%parallel_loop3A_171, %parallel_loop3A_172] {strides = array<i32>} : memref<200x64xf32, #tpu.memory_space<vmem>>, vector<1x16xf32>,
        %parallel_loop3A_174 = vector.shape_cast %parallel_loop3A_173 : vector<1x16xf32> to vector<16xf32>
        %parallel_loop3A_175 = arith.index_cast %parallel_loop3A_128 : i32 to index
        %parallel_loop3A_176 = arith.constant 48 : index
        %parallel_loop3A_177 = tpu.vector_load %arg10[%parallel_loop3A_175, %parallel_loop3A_176] {strides = array<i32>} : memref<200x64xf32, #tpu.memory_space<vmem>>, vector<1x16xf32>,
        %parallel_loop3A_178 = vector.shape_cast %parallel_loop3A_177 : vector<1x16xf32> to vector<16xf32>
        %parallel_loop3A_179 = arith.addf %parallel_loop3A_174, %parallel_loop3A_178 : vector<16xf32>
        %parallel_loop3A_180 = arith.index_cast %parallel_loop3A_128 : i32 to index
        %parallel_loop3A_181 = arith.constant 48 : index
        %parallel_loop3A_182 = tpu.vector_load %arg8[%parallel_loop3A_180, %parallel_loop3A_181] {strides = array<i32>} : memref<200x64xf32, #tpu.memory_space<vmem>>, vector<1x16xf32>,
        %parallel_loop3A_183 = vector.shape_cast %parallel_loop3A_182 : vector<1x16xf32> to vector<16xf32>
        %parallel_loop3A_184 = vector.shape_cast %parallel_loop3A_179 : vector<16xf32> to vector<1x16xf32>
        tpu.vector_store %arg8[%parallel_loop3A_180, %parallel_loop3A_181], %parallel_loop3A_184 {strides = array<i32>} : memref<200x64xf32, #tpu.memory_space<vmem>>, vector<1x16xf32>,
      } {sc.loop_unroll_factor = 2 : i64, sc.parallel_access}
      %add3A_85 = arith.addi %mul3A_2, %add3A_65 : i32
      %dma_start3A_86 = arith.constant 0 : i32
      %dma_start3A_87 = arith.constant 0 : i32
      %dma_start3A_88 = tpu.memref_slice %arg5[%add3A_85, %dma_start3A_86, %dma_start3A_87] : memref<1024x200x128xf32, #tpu.memory_space<hbm>> -> memref<1x200x64xf32, #tpu.memory_space<hbm>>
      %dma_start3A_89 = tpu.memref_squeeze %dma_start3A_88 : memref<1x200x64xf32, #tpu.memory_space<hbm>> -> memref<200x64xf32, #tpu.memory_space<hbm>>
      %dma_start3A_90 = arith.constant 0 : i32
      %dma_start3A_91 = arith.constant 0 : i32
      %dma_start3A_92 = tpu.memref_slice %arg5[%add3A_85, %dma_start3A_90, %dma_start3A_91] : memref<1024x200x128xf32, #tpu.memory_space<hbm>> -> memref<1x200x64xf32, #tpu.memory_space<hbm>>
      %dma_start3A_93 = tpu.memref_squeeze %dma_start3A_92 : memref<1x200x64xf32, #tpu.memory_space<hbm>> -> memref<200x64xf32, #tpu.memory_space<hbm>>
      tpu.enqueue_dma source(%arg8 : memref<200x64xf32, #tpu.memory_space<vmem>>) target(%dma_start3A_93 : memref<200x64xf32, #tpu.memory_space<hbm>>) target_semaphore(%arg13 : memref<!tpu.dma_semaphore, #tpu.memory_space<semaphore_mem>>)
      %add3A_94 = arith.constant 1 : i32
      %add3A_95 = arith.addi %add3A_63, %add3A_94 : i32
      %dma_wait3A_96 = arith.constant 0 : i32
      %dma_wait3A_97 = arith.constant 0 : i32
      %dma_wait3A_98 = tpu.memref_slice %arg9[%dma_wait3A_96, %dma_wait3A_97] : memref<200x64xf32, #tpu.memory_space<vmem>> -> memref<128x64xf32, #tpu.memory_space<vmem>>
      %dma_wait3A_99 = arith.constant 0 : i32
      %dma_wait3A_100 = tpu.memref_slice %arg7[%dma_wait3A_99] : memref<6400xi32, #tpu.memory_space<vmem>> -> memref<128xi32, #tpu.memory_space<vmem>>
      %dma_wait3A_101 = arith.constant 0 : i32
      %dma_wait3A_102 = arith.constant 0 : i32
      %dma_wait3A_103 = tpu.memref_slice %arg3[%dma_wait3A_101, %dma_wait3A_102] : memref<1015808x64xf32, #tpu.memory_space<hbm>> -> memref<1015808x64xf32, #tpu.memory_space<hbm>>
      tpu.wait_indirect_dma semaphore(%arg12 : memref<!tpu.dma_semaphore, #tpu.memory_space<semaphore_mem>>) src(%dma_wait3A_103 : memref<1015808x64xf32, #tpu.memory_space<hbm>>) dst(%dma_wait3A_98 : memref<128x64xf32, #tpu.memory_space<vmem>>)
      %dma_wait3A_104 = arith.constant 128 : i32
      %dma_wait3A_105 = arith.constant 0 : i32
      %dma_wait3A_106 = tpu.memref_slice %arg9[%dma_wait3A_104, %dma_wait3A_105] : memref<200x64xf32, #tpu.memory_space<vmem>> -> memref<72x64xf32, #tpu.memory_space<vmem>>
      %dma_wait3A_107 = arith.constant 0 : i32
      %dma_wait3A_108 = tpu.memref_slice %arg7[%dma_wait3A_107] : memref<6400xi32, #tpu.memory_space<vmem>> -> memref<72xi32, #tpu.memory_space<vmem>>
      %dma_wait3A_109 = arith.constant 0 : i32
      %dma_wait3A_110 = arith.constant 0 : i32
      %dma_wait3A_111 = tpu.memref_slice %arg3[%dma_wait3A_109, %dma_wait3A_110] : memref<1015808x64xf32, #tpu.memory_space<hbm>> -> memref<1015808x64xf32, #tpu.memory_space<hbm>>
      tpu.wait_indirect_dma semaphore(%arg12 : memref<!tpu.dma_semaphore, #tpu.memory_space<semaphore_mem>>) src(%dma_wait3A_111 : memref<1015808x64xf32, #tpu.memory_space<hbm>>) dst(%dma_wait3A_106 : memref<72x64xf32, #tpu.memory_space<vmem>>)
      %parallel_loop3A_112 = arith.constant 0 : i32
      %parallel_loop3A_113 = arith.constant 200 : i32
      %parallel_loop3A_114 = arith.constant 1 : i32
      scf.for %parallel_loop3A_128 = %parallel_loop3A_112 to %parallel_loop3A_113 step %parallel_loop3A_114  : i32 {
        %parallel_loop3A_129 = arith.index_cast %parallel_loop3A_128 : i32 to index
        %parallel_loop3A_130 = arith.constant 0 : index
        %parallel_loop3A_131 = tpu.vector_load %arg9[%parallel_loop3A_129, %parallel_loop3A_130] {strides = array<i32>} : memref<200x64xf32, #tpu.memory_space<vmem>>, vector<1x16xf32>,
        %parallel_loop3A_132 = vector.shape_cast %parallel_loop3A_131 : vector<1x16xf32> to vector<16xf32>
        %parallel_loop3A_133 = arith.index_cast %parallel_loop3A_128 : i32 to index
        %parallel_loop3A_134 = arith.constant 0 : index
        %parallel_loop3A_135 = tpu.vector_load %arg10[%parallel_loop3A_133, %parallel_loop3A_134] {strides = array<i32>} : memref<200x64xf32, #tpu.memory_space<vmem>>, vector<1x16xf32>,
        %parallel_loop3A_136 = vector.shape_cast %parallel_loop3A_135 : vector<1x16xf32> to vector<16xf32>
        %parallel_loop3A_137 = arith.addf %parallel_loop3A_132, %parallel_loop3A_136 : vector<16xf32>
        %parallel_loop3A_138 = arith.index_cast %parallel_loop3A_128 : i32 to index
        %parallel_loop3A_139 = arith.constant 0 : index
        %parallel_loop3A_140 = tpu.vector_load %arg9[%parallel_loop3A_138, %parallel_loop3A_139] {strides = array<i32>} : memref<200x64xf32, #tpu.memory_space<vmem>>, vector<1x16xf32>,
        %parallel_loop3A_141 = vector.shape_cast %parallel_loop3A_140 : vector<1x16xf32> to vector<16xf32>
        %parallel_loop3A_142 = vector.shape_cast %parallel_loop3A_137 : vector<16xf32> to vector<1x16xf32>
        tpu.vector_store %arg9[%parallel_loop3A_138, %parallel_loop3A_139], %parallel_loop3A_142 {strides = array<i32>} : memref<200x64xf32, #tpu.memory_space<vmem>>, vector<1x16xf32>,
        %parallel_loop3A_143 = arith.index_cast %parallel_loop3A_128 : i32 to index
        %parallel_loop3A_144 = arith.constant 16 : index
        %parallel_loop3A_145 = tpu.vector_load %arg9[%parallel_loop3A_143, %parallel_loop3A_144] {strides = array<i32>} : memref<200x64xf32, #tpu.memory_space<vmem>>, vector<1x16xf32>,
        %parallel_loop3A_146 = vector.shape_cast %parallel_loop3A_145 : vector<1x16xf32> to vector<16xf32>
        %parallel_loop3A_147 = arith.index_cast %parallel_loop3A_128 : i32 to index
        %parallel_loop3A_148 = arith.constant 16 : index
        %parallel_loop3A_149 = tpu.vector_load %arg10[%parallel_loop3A_147, %parallel_loop3A_148] {strides = array<i32>} : memref<200x64xf32, #tpu.memory_space<vmem>>, vector<1x16xf32>,
        %parallel_loop3A_150 = vector.shape_cast %parallel_loop3A_149 : vector<1x16xf32> to vector<16xf32>
        %parallel_loop3A_151 = arith.addf %parallel_loop3A_146, %parallel_loop3A_150 : vector<16xf32>
        %parallel_loop3A_152 = arith.index_cast %parallel_loop3A_128 : i32 to index
        %parallel_loop3A_153 = arith.constant 16 : index
        %parallel_loop3A_154 = tpu.vector_load %arg9[%parallel_loop3A_152, %parallel_loop3A_153] {strides = array<i32>} : memref<200x64xf32, #tpu.memory_space<vmem>>, vector<1x16xf32>,
        %parallel_loop3A_155 = vector.shape_cast %parallel_loop3A_154 : vector<1x16xf32> to vector<16xf32>
        %parallel_loop3A_156 = vector.shape_cast %parallel_loop3A_151 : vector<16xf32> to vector<1x16xf32>
        tpu.vector_store %arg9[%parallel_loop3A_152, %parallel_loop3A_153], %parallel_loop3A_156 {strides = array<i32>} : memref<200x64xf32, #tpu.memory_space<vmem>>, vector<1x16xf32>,
        %parallel_loop3A_157 = arith.index_cast %parallel_loop3A_128 : i32 to index
        %parallel_loop3A_158 = arith.constant 32 : index
        %parallel_loop3A_159 = tpu.vector_load %arg9[%parallel_loop3A_157, %parallel_loop3A_158] {strides = array<i32>} : memref<200x64xf32, #tpu.memory_space<vmem>>, vector<1x16xf32>,
        %parallel_loop3A_160 = vector.shape_cast %parallel_loop3A_159 : vector<1x16xf32> to vector<16xf32>
        %parallel_loop3A_161 = arith.index_cast %parallel_loop3A_128 : i32 to index
        %parallel_loop3A_162 = arith.constant 32 : index
        %parallel_loop3A_163 = tpu.vector_load %arg10[%parallel_loop3A_161, %parallel_loop3A_162] {strides = array<i32>} : memref<200x64xf32, #tpu.memory_space<vmem>>, vector<1x16xf32>,
        %parallel_loop3A_164 = vector.shape_cast %parallel_loop3A_163 : vector<1x16xf32> to vector<16xf32>
        %parallel_loop3A_165 = arith.addf %parallel_loop3A_160, %parallel_loop3A_164 : vector<16xf32>
        %parallel_loop3A_166 = arith.index_cast %parallel_loop3A_128 : i32 to index
        %parallel_loop3A_167 = arith.constant 32 : index
        %parallel_loop3A_168 = tpu.vector_load %arg9[%parallel_loop3A_166, %parallel_loop3A_167] {strides = array<i32>} : memref<200x64xf32, #tpu.memory_space<vmem>>, vector<1x16xf32>,
        %parallel_loop3A_169 = vector.shape_cast %parallel_loop3A_168 : vector<1x16xf32> to vector<16xf32>
        %parallel_loop3A_170 = vector.shape_cast %parallel_loop3A_165 : vector<16xf32> to vector<1x16xf32>
        tpu.vector_store %arg9[%parallel_loop3A_166, %parallel_loop3A_167], %parallel_loop3A_170 {strides = array<i32>} : memref<200x64xf32, #tpu.memory_space<vmem>>, vector<1x16xf32>,
        %parallel_loop3A_171 = arith.index_cast %parallel_loop3A_128 : i32 to index
        %parallel_loop3A_172 = arith.constant 48 : index
        %parallel_loop3A_173 = tpu.vector_load %arg9[%parallel_loop3A_171, %parallel_loop3A_172] {strides = array<i32>} : memref<200x64xf32, #tpu.memory_space<vmem>>, vector<1x16xf32>,
        %parallel_loop3A_174 = vector.shape_cast %parallel_loop3A_173 : vector<1x16xf32> to vector<16xf32>
        %parallel_loop3A_175 = arith.index_cast %parallel_loop3A_128 : i32 to index
        %parallel_loop3A_176 = arith.constant 48 : index
        %parallel_loop3A_177 = tpu.vector_load %arg10[%parallel_loop3A_175, %parallel_loop3A_176] {strides = array<i32>} : memref<200x64xf32, #tpu.memory_space<vmem>>, vector<1x16xf32>,
        %parallel_loop3A_178 = vector.shape_cast %parallel_loop3A_177 : vector<1x16xf32> to vector<16xf32>
        %parallel_loop3A_179 = arith.addf %parallel_loop3A_174, %parallel_loop3A_178 : vector<16xf32>
        %parallel_loop3A_180 = arith.index_cast %parallel_loop3A_128 : i32 to index
        %parallel_loop3A_181 = arith.constant 48 : index
        %parallel_loop3A_182 = tpu.vector_load %arg9[%parallel_loop3A_180, %parallel_loop3A_181] {strides = array<i32>} : memref<200x64xf32, #tpu.memory_space<vmem>>, vector<1x16xf32>,
        %parallel_loop3A_183 = vector.shape_cast %parallel_loop3A_182 : vector<1x16xf32> to vector<16xf32>
        %parallel_loop3A_184 = vector.shape_cast %parallel_loop3A_179 : vector<16xf32> to vector<1x16xf32>
        tpu.vector_store %arg9[%parallel_loop3A_180, %parallel_loop3A_181], %parallel_loop3A_184 {strides = array<i32>} : memref<200x64xf32, #tpu.memory_space<vmem>>, vector<1x16xf32>,
      } {sc.loop_unroll_factor = 2 : i64, sc.parallel_access}
      %add3A_115 = arith.addi %mul3A_2, %add3A_95 : i32
      %dma_start3A_116 = arith.constant 0 : i32
      %dma_start3A_117 = arith.constant 0 : i32
      %dma_start3A_118 = tpu.memref_slice %arg5[%add3A_115, %dma_start3A_116, %dma_start3A_117] : memref<1024x200x128xf32, #tpu.memory_space<hbm>> -> memref<1x200x64xf32, #tpu.memory_space<hbm>>
      %dma_start3A_119 = tpu.memref_squeeze %dma_start3A_118 : memref<1x200x64xf32, #tpu.memory_space<hbm>> -> memref<200x64xf32, #tpu.memory_space<hbm>>
      %dma_start3A_120 = arith.constant 0 : i32
      %dma_start3A_121 = arith.constant 0 : i32
      %dma_start3A_122 = tpu.memref_slice %arg5[%add3A_115, %dma_start3A_120, %dma_start3A_121] : memref<1024x200x128xf32, #tpu.memory_space<hbm>> -> memref<1x200x64xf32, #tpu.memory_space<hbm>>
      %dma_start3A_123 = tpu.memref_squeeze %dma_start3A_122 : memref<1x200x64xf32, #tpu.memory_space<hbm>> -> memref<200x64xf32, #tpu.memory_space<hbm>>
      tpu.enqueue_dma source(%arg9 : memref<200x64xf32, #tpu.memory_space<vmem>>) target(%dma_start3A_123 : memref<200x64xf32, #tpu.memory_space<hbm>>) target_semaphore(%arg14 : memref<!tpu.dma_semaphore, #tpu.memory_space<semaphore_mem>>)
      %add3A_124 = arith.constant 2 : i32
      %add3A_125 = arith.addi %add3A_63, %add3A_124 : i32
      %lt3A = arith.constant 32 : i32
      %lt3A_126 = arith.cmpi slt, %add3A_125, %lt3A : i32
      %convert_element_type3A = arith.extui %lt3A_126 : i1 to i32
      %cond3A = arith.constant 0 : i32
      %cond3A_127 = arith.cmpi ne, %convert_element_type3A, %cond3A : i32
      scf.if %cond3A_127 {
        %dma_wait3A_128 = arith.constant 0 : i32
        %dma_wait3A_129 = arith.constant 0 : i32
        %dma_wait3A_130 = arith.constant 0 : i32
        %dma_wait3A_131 = tpu.memref_slice %arg5[%dma_wait3A_128, %dma_wait3A_129, %dma_wait3A_130] : memref<1024x200x128xf32, #tpu.memory_space<hbm>> -> memref<1x200x64xf32, #tpu.memory_space<hbm>>
        %dma_wait3A_132 = tpu.memref_squeeze %dma_wait3A_131 : memref<1x200x64xf32, #tpu.memory_space<hbm>> -> memref<200x64xf32, #tpu.memory_space<hbm>>
        %dma_wait3A_133 = arith.constant 0 : i32
        %dma_wait3A_134 = arith.constant 0 : i32
        %dma_wait3A_135 = tpu.memref_slice %arg5[%dma_wait3A_128, %dma_wait3A_133, %dma_wait3A_134] : memref<1024x200x128xf32, #tpu.memory_space<hbm>> -> memref<1x200x64xf32, #tpu.memory_space<hbm>>
        %dma_wait3A_136 = tpu.memref_squeeze %dma_wait3A_135 : memref<1x200x64xf32, #tpu.memory_space<hbm>> -> memref<200x64xf32, #tpu.memory_space<hbm>>
        tpu.wait_dma2 semaphore(%arg13 : memref<!tpu.dma_semaphore, #tpu.memory_space<semaphore_mem>>) src(%arg8 : memref<200x64xf32, #tpu.memory_space<vmem>>) dst(%dma_wait3A_136 : memref<200x64xf32, #tpu.memory_space<hbm>>)
        %add3A_137 = arith.constant 2 : i32
        %add3A_138 = arith.addi %add3A_63, %add3A_137 : i32
        %add3A_139 = arith.constant 0 : i32
        %add3A_140 = arith.addi %add3A_138, %add3A_139 : i32
        %mul3A_141 = arith.constant 200 : i32
        %mul3A_142 = arith.muli %add3A_140, %mul3A_141 : i32
        %dma_start3A_143 = arith.constant 0 : i32
        %dma_start3A_144 = arith.constant 0 : i32
        %dma_start3A_145 = tpu.memref_slice %arg8[%dma_start3A_143, %dma_start3A_144] : memref<200x64xf32, #tpu.memory_space<vmem>> -> memref<128x64xf32, #tpu.memory_space<vmem>>
        %dma_start3A_146 = tpu.memref_slice %arg7[%mul3A_142] : memref<6400xi32, #tpu.memory_space<vmem>> -> memref<128xi32, #tpu.memory_space<vmem>>
        %dma_start3A_147 = arith.constant 0 : i32
        %dma_start3A_148 = arith.constant 0 : i32
        %dma_start3A_149 = tpu.memref_slice %arg3[%dma_start3A_147, %dma_start3A_148] : memref<1015808x64xf32, #tpu.memory_space<hbm>> -> memref<1015808x64xf32, #tpu.memory_space<hbm>>
        tpu.enqueue_indirect_dma source(%dma_start3A_149 : memref<1015808x64xf32, #tpu.memory_space<hbm>>) target(%dma_start3A_145 : memref<128x64xf32, #tpu.memory_space<vmem>>) offsets(%dma_start3A_146 : memref<128xi32, #tpu.memory_space<vmem>>) semaphore(%arg11 : memref<!tpu.dma_semaphore, #tpu.memory_space<semaphore_mem>>)
        %mul3A_150 = arith.constant 200 : i32
        %mul3A_151 = arith.muli %add3A_140, %mul3A_150 : i32
        %add3A_152 = arith.constant 128 : i32
        %add3A_153 = arith.addi %mul3A_151, %add3A_152 : i32
        %dma_start3A_154 = arith.constant 128 : i32
        %dma_start3A_155 = arith.constant 0 : i32
        %dma_start3A_156 = tpu.memref_slice %arg8[%dma_start3A_154, %dma_start3A_155] : memref<200x64xf32, #tpu.memory_space<vmem>> -> memref<72x64xf32, #tpu.memory_space<vmem>>
        %dma_start3A_157 = tpu.memref_slice %arg7[%add3A_153] : memref<6400xi32, #tpu.memory_space<vmem>> -> memref<72xi32, #tpu.memory_space<vmem>>
        %dma_start3A_158 = arith.constant 0 : i32
        %dma_start3A_159 = arith.constant 0 : i32
        %dma_start3A_160 = tpu.memref_slice %arg3[%dma_start3A_158, %dma_start3A_159] : memref<1015808x64xf32, #tpu.memory_space<hbm>> -> memref<1015808x64xf32, #tpu.memory_space<hbm>>
        tpu.enqueue_indirect_dma source(%dma_start3A_160 : memref<1015808x64xf32, #tpu.memory_space<hbm>>) target(%dma_start3A_156 : memref<72x64xf32, #tpu.memory_space<vmem>>) offsets(%dma_start3A_157 : memref<72xi32, #tpu.memory_space<vmem>>) semaphore(%arg11 : memref<!tpu.dma_semaphore, #tpu.memory_space<semaphore_mem>>)
        %dma_wait3A_161 = arith.constant 0 : i32
        %dma_wait3A_162 = arith.constant 0 : i32
        %dma_wait3A_163 = arith.constant 0 : i32
        %dma_wait3A_164 = tpu.memref_slice %arg5[%dma_wait3A_161, %dma_wait3A_162, %dma_wait3A_163] : memref<1024x200x128xf32, #tpu.memory_space<hbm>> -> memref<1x200x64xf32, #tpu.memory_space<hbm>>
        %dma_wait3A_165 = tpu.memref_squeeze %dma_wait3A_164 : memref<1x200x64xf32, #tpu.memory_space<hbm>> -> memref<200x64xf32, #tpu.memory_space<hbm>>
        %dma_wait3A_166 = arith.constant 0 : i32
        %dma_wait3A_167 = arith.constant 0 : i32
        %dma_wait3A_168 = tpu.memref_slice %arg5[%dma_wait3A_161, %dma_wait3A_166, %dma_wait3A_167] : memref<1024x200x128xf32, #tpu.memory_space<hbm>> -> memref<1x200x64xf32, #tpu.memory_space<hbm>>
        %dma_wait3A_169 = tpu.memref_squeeze %dma_wait3A_168 : memref<1x200x64xf32, #tpu.memory_space<hbm>> -> memref<200x64xf32, #tpu.memory_space<hbm>>
        tpu.wait_dma2 semaphore(%arg14 : memref<!tpu.dma_semaphore, #tpu.memory_space<semaphore_mem>>) src(%arg9 : memref<200x64xf32, #tpu.memory_space<vmem>>) dst(%dma_wait3A_169 : memref<200x64xf32, #tpu.memory_space<hbm>>)
        %add3A_170 = arith.constant 2 : i32
        %add3A_171 = arith.addi %add3A_63, %add3A_170 : i32
        %add3A_172 = arith.constant 1 : i32
        %add3A_173 = arith.addi %add3A_171, %add3A_172 : i32
        %mul3A_174 = arith.constant 200 : i32
        %mul3A_175 = arith.muli %add3A_173, %mul3A_174 : i32
        %dma_start3A_176 = arith.constant 0 : i32
        %dma_start3A_177 = arith.constant 0 : i32
        %dma_start3A_178 = tpu.memref_slice %arg9[%dma_start3A_176, %dma_start3A_177] : memref<200x64xf32, #tpu.memory_space<vmem>> -> memref<128x64xf32, #tpu.memory_space<vmem>>
        %dma_start3A_179 = tpu.memref_slice %arg7[%mul3A_175] : memref<6400xi32, #tpu.memory_space<vmem>> -> memref<128xi32, #tpu.memory_space<vmem>>
        %dma_start3A_180 = arith.constant 0 : i32
        %dma_start3A_181 = arith.constant 0 : i32
        %dma_start3A_182 = tpu.memref_slice %arg3[%dma_start3A_180, %dma_start3A_181] : memref<1015808x64xf32, #tpu.memory_space<hbm>> -> memref<1015808x64xf32, #tpu.memory_space<hbm>>
        tpu.enqueue_indirect_dma source(%dma_start3A_182 : memref<1015808x64xf32, #tpu.memory_space<hbm>>) target(%dma_start3A_178 : memref<128x64xf32, #tpu.memory_space<vmem>>) offsets(%dma_start3A_179 : memref<128xi32, #tpu.memory_space<vmem>>) semaphore(%arg12 : memref<!tpu.dma_semaphore, #tpu.memory_space<semaphore_mem>>)
        %mul3A_183 = arith.constant 200 : i32
        %mul3A_184 = arith.muli %add3A_173, %mul3A_183 : i32
        %add3A_185 = arith.constant 128 : i32
        %add3A_186 = arith.addi %mul3A_184, %add3A_185 : i32
        %dma_start3A_187 = arith.constant 128 : i32
        %dma_start3A_188 = arith.constant 0 : i32
        %dma_start3A_189 = tpu.memref_slice %arg9[%dma_start3A_187, %dma_start3A_188] : memref<200x64xf32, #tpu.memory_space<vmem>> -> memref<72x64xf32, #tpu.memory_space<vmem>>
        %dma_start3A_190 = tpu.memref_slice %arg7[%add3A_186] : memref<6400xi32, #tpu.memory_space<vmem>> -> memref<72xi32, #tpu.memory_space<vmem>>
        %dma_start3A_191 = arith.constant 0 : i32
        %dma_start3A_192 = arith.constant 0 : i32
        %dma_start3A_193 = tpu.memref_slice %arg3[%dma_start3A_191, %dma_start3A_192] : memref<1015808x64xf32, #tpu.memory_space<hbm>> -> memref<1015808x64xf32, #tpu.memory_space<hbm>>
        tpu.enqueue_indirect_dma source(%dma_start3A_193 : memref<1015808x64xf32, #tpu.memory_space<hbm>>) target(%dma_start3A_189 : memref<72x64xf32, #tpu.memory_space<vmem>>) offsets(%dma_start3A_190 : memref<72xi32, #tpu.memory_space<vmem>>) semaphore(%arg12 : memref<!tpu.dma_semaphore, #tpu.memory_space<semaphore_mem>>)
      } else {
      }
    }
    %scan3A_41 = arith.constant 16 : i32
    %dma_wait3A = arith.constant 0 : i32
    %dma_wait3A_42 = arith.constant 0 : i32
    %dma_wait3A_43 = arith.constant 0 : i32
    %dma_wait3A_44 = tpu.memref_slice %arg5[%dma_wait3A, %dma_wait3A_42, %dma_wait3A_43] : memref<1024x200x128xf32, #tpu.memory_space<hbm>> -> memref<1x200x64xf32, #tpu.memory_space<hbm>>
    %dma_wait3A_45 = tpu.memref_squeeze %dma_wait3A_44 : memref<1x200x64xf32, #tpu.memory_space<hbm>> -> memref<200x64xf32, #tpu.memory_space<hbm>>
    %dma_wait3A_46 = arith.constant 0 : i32
    %dma_wait3A_47 = arith.constant 0 : i32
    %dma_wait3A_48 = tpu.memref_slice %arg5[%dma_wait3A, %dma_wait3A_46, %dma_wait3A_47] : memref<1024x200x128xf32, #tpu.memory_space<hbm>> -> memref<1x200x64xf32, #tpu.memory_space<hbm>>
    %dma_wait3A_49 = tpu.memref_squeeze %dma_wait3A_48 : memref<1x200x64xf32, #tpu.memory_space<hbm>> -> memref<200x64xf32, #tpu.memory_space<hbm>>
    tpu.wait_dma2 semaphore(%arg13 : memref<!tpu.dma_semaphore, #tpu.memory_space<semaphore_mem>>) src(%arg8 : memref<200x64xf32, #tpu.memory_space<vmem>>) dst(%dma_wait3A_49 : memref<200x64xf32, #tpu.memory_space<hbm>>)
    %dma_wait3A_50 = arith.constant 0 : i32
    %dma_wait3A_51 = arith.constant 0 : i32
    %dma_wait3A_52 = arith.constant 0 : i32
    %dma_wait3A_53 = tpu.memref_slice %arg5[%dma_wait3A_50, %dma_wait3A_51, %dma_wait3A_52] : memref<1024x200x128xf32, #tpu.memory_space<hbm>> -> memref<1x200x64xf32, #tpu.memory_space<hbm>>
    %dma_wait3A_54 = tpu.memref_squeeze %dma_wait3A_53 : memref<1x200x64xf32, #tpu.memory_space<hbm>> -> memref<200x64xf32, #tpu.memory_space<hbm>>
    %dma_wait3A_55 = arith.constant 0 : i32
    %dma_wait3A_56 = arith.constant 0 : i32
    %dma_wait3A_57 = tpu.memref_slice %arg5[%dma_wait3A_50, %dma_wait3A_55, %dma_wait3A_56] : memref<1024x200x128xf32, #tpu.memory_space<hbm>> -> memref<1x200x64xf32, #tpu.memory_space<hbm>>
    %dma_wait3A_58 = tpu.memref_squeeze %dma_wait3A_57 : memref<1x200x64xf32, #tpu.memory_space<hbm>> -> memref<200x64xf32, #tpu.memory_space<hbm>>
    tpu.wait_dma2 semaphore(%arg14 : memref<!tpu.dma_semaphore, #tpu.memory_space<semaphore_mem>>) src(%arg9 : memref<200x64xf32, #tpu.memory_space<vmem>>) dst(%dma_wait3A_58 : memref<200x64xf32, #tpu.memory_space<hbm>>)
    return
  }
}

module attributes {stable_mosaic.version = 14 : i64} {
  func.func @_tp_body(%arg0: i32, %arg1: memref<64x16384xf32, #tpu.memory_space<vmem>>, %arg2: memref<64x16384xf32, #tpu.memory_space<vmem>>, %arg3: memref<16384x128xf32, #tpu.memory_space<vmem>>) attributes {dimension_semantics = [#tpu.dimension_semantics<arbitrary>], iteration_bounds = array<i64: 31>, scalar_prefetch = 0 : i64, scratch_operands = 0 : i64, tpu.core_type = #tpu.core_type<tc>, window_params = [{transform_indices = @transform_0, window_bounds = array<i64: 64, 16384>}, {transform_indices = @transform_1, window_bounds = array<i64: 64, 16384>}, {transform_indices = @transform_2, window_bounds = array<i64: 16384, 128>}]} {
    %get3A = arith.constant 0 : index
    %get3A_0 = arith.constant 0 : index
    %get3A_1 = vector.load %arg1[%get3A, %get3A_0] : memref<64x16384xf32, #tpu.memory_space<vmem>>, vector<64x16384xf32>
    %get3A_2 = arith.constant 0 : index
    %get3A_3 = arith.constant 0 : index
    %get3A_4 = vector.load %arg2[%get3A_2, %get3A_3] : memref<64x16384xf32, #tpu.memory_space<vmem>>, vector<64x16384xf32>
    %concatenate3A = tpu.concatenate %get3A_1, %get3A_4 in 0 : vector<64x16384xf32>, vector<64x16384xf32> -> vector<128x16384xf32>
    %transpose3A = tpu.transpose %concatenate3A, [1, 0] : vector<128x16384xf32> -> vector<16384x128xf32>
    %swap3A = arith.constant 0 : index
    %swap3A_5 = arith.constant 0 : index
    %swap3A_6 = vector.load %arg3[%swap3A, %swap3A_5] : memref<16384x128xf32, #tpu.memory_space<vmem>>, vector<16384x128xf32>
    tpu.vector_store %arg3[%swap3A, %swap3A_5], %transpose3A {strides = array<i32>} : memref<16384x128xf32, #tpu.memory_space<vmem>>, vector<16384x128xf32>,
    return
  }
  func.func @transform_0(%arg0: i32) -> (i32, i32) {
    %c0_i32 = arith.constant 0 : i32
    %c0_i32_0 = arith.constant 0 : i32
    return %c0_i32, %arg0 : i32, i32
  }
  func.func @transform_1(%arg0: i32) -> (i32, i32) {
    %add3A = arith.constant 31 : i32
    %add3A_0 = arith.addi %arg0, %add3A : i32
    %min3A = arith.constant 61 : i32
    %min3A_1 = arith.minsi %add3A_0, %min3A : i32
    %c0_i32 = arith.constant 0 : i32
    %c0_i32_2 = arith.constant 0 : i32
    return %c0_i32, %min3A_1 : i32, i32
  }
  func.func @transform_2(%arg0: i32) -> (i32, i32) {
    %c0_i32 = arith.constant 0 : i32
    %c0_i32_0 = arith.constant 0 : i32
    return %arg0, %c0_i32 : i32, i32
  }
}

</mosaic_0001>

<sc_bundles>
// kernel: kernel.4.cloned.1.call-start
scs
__scs_entry_jumppad:
0x0: {  	(pc) =	sbr.rel $0x88, $3  }
0x1: {  	(tag) =	ssettag $0x0;
	lr =	simm.s32 $0x1  }
0x2: {  	[smem:$0x3F9E] =	sst lr;
	_ =	strace $0xD0000000  }
0x3: {  	_ = 	snop  }
0x4: {  	_ = 	snop  }
0x5: {  	_ = 	snop  }
0x6: {  	_ = 	snop  }
0x7: {  	_ = 	snop  }
__scs_overlays_trampoline_lowered:
0x8: {  	[smem:$0x3FAD] =	sst s0  }
0x9: {  	[smem:$0x3FAE] =	sst s1  }
0xa: {  	[smem:$0x3FAF] =	sst s2  }
0xb: {  	[smem:$0x3FB0] =	sst s3  }
0xc: {  	[smem:$0x3FB1] =	sst s4  }
0xd: {  	[smem:$0x3FB2] =	sst s5  }
0xe: {  	[smem:$0x3FB3] =	sst s6  }
0xf: {  	[smem:$0x3FB4] =	sst s7  }
0x10: {  	[smem:$0x3FB5] =	sst s8  }
0x11: {  	[smem:$0x3FB6] =	sst s9;
	s0 =	simm.s32 @!p0 $0x0  }
0x12: {  	s1 =	sld [smem:$0x3F9C];
	s0 =	simm.s32 @p0 $0x1  }
0x13: {  	[smem:$0x3FB7] =	sst s0;
	s0 =	simm.s32 @!p1 $0x0  }
0x14: {  	s2 =	sld [smem:$0x3F9B];
	s0 =	simm.s32 @p1 $0x1  }
0x15: {  	[smem:$0x3FB8] =	sst s0;
	s0 =	simm.s32 @!p2 $0x0  }
0x16: {  	s3 =	sld [smem:$0x3FDB];
	s0 =	simm.s32 @p2 $0x1  }
0x17: {  	s4 =	simm.s32 $0x1BF5;
	[smem:$0x3FBA] =	sst s0  }
0x18: {  	s0 =	sld [smem:$0x3F9D];
	_ =	swait.ge [sflag:s4], $0x0  }
0x19: {  	s7 =	sld [smem:$0x3F9E]  }
0x1a: {  	s8 =	sadd.s32 $0xFFFFE003, lr  }
0x1b: {  	s9 =	sadd.s32 $0xFFFFFEF7, lr;
	s5 =	simm.s32 $0xFFFFFFFF;
	p2 =	slt.u32 s8, $0xFFFFF086  }
0x1c: {  	p1 =	slt.u32 s9, $0xF7A;
	s5 =	simm.s32 @!p2 $0x0  }
0x1d: {  	s5 =	simm.s32 @p1 $0x1;
	p0 =	seq.s32 s7, s2  }
0x1e: {  	s7 =	smul.u32 @!p0 $0xF7A, s2;
	p2 =	seq.s32 @!p0 s5, $0x0  }
0x1f: {  	s9 =	smul.u32 $0xF7A, s1;
	s8 =	simm.s32 @!p0 $0x1BF5;
	p2 =	por !p2, p0  }
0x20: {  	[sflag:s8] =	ssyncset.s32 @!p0 $0xFFFFF086;
	s6 =	sadd.s32 @!p0 s3, s7;
	s7 =	simm.s32 @!p0 $0x108  }
0x21: {  	s3 =	sadd.s32 s3, s9;
	s6 =	sadd.s32 @!p0 $0x88, s6;
	s7 =	simm.s32 @p2 $0x1082  }
0x22: {  	[simem:s7], [sflag:s8] =	dma.local @!p0 [hbm:s6], $0xF7A  }
0x23: {  	s9 =	sor.u32 $0xD0000000, s2;
	s6 =	simm.s32 $0x108;
	_ =	swait.ge @!p0 [sflag:s8], $0x0  }
0x24: {  	s3 =	sadd.s32 $0x88, s3;
	s6 =	simm.s32 @!p1 $0x1082;
	[sflag:s4] =	ssyncset.s32 $0xFFFFF086  }
0x25: {  	[simem:s6], [sflag:s4] =	dma.local [hbm:s3], $0xF7A  }
0x26: {  	[smem:$0x3F9E] =	sst s1;
	(tag) =	ssettag s2;
	_ =	strace s9  }
0x27: {  	s1 =	sld [smem:$0x3FAE]  }
0x28: {  	s2 =	sld [smem:$0x3FAF]  }
0x29: {  	s4 =	sld [smem:$0x3FB1]  }
0x2a: {  	p0 =	seq.s32 s5, $0x0;
	s5 =	sld [smem:$0x3FB2]  }
0x2b: {  	s6 =	sld [smem:$0x3FB3]  }
0x2c: {  	s7 =	sld [smem:$0x3FB4]  }
0x2d: {  	s3 =	simm.s32 $0x108;
	s8 =	sld [smem:$0x3FB5]  }
0x2e: {  	s3 =	simm.s32 @!p0 $0x1082;
	s9 =	sld [smem:$0x3FB6]  }
0x2f: {  	lr =	sadd.s32 s0, s3;
	s0 =	sld [smem:$0x3FAD]  }
0x30: {  	s3 =	sld [smem:$0x3FB0]  }
0x31: {  	[smem:$0x3FB9] =	sst s10  }
0x32: {  	s10 =	sld [smem:$0x3FB7];
	_ =	sdelay $0x3  }
0x33: {  	p0 =	seq.s32 s10, $0x1;
	s10 =	sld [smem:$0x3FB9];
	_ =	sdelay $0x3  }
0x34: {  	[smem:$0x3FB9] =	sst s10  }
0x35: {  	s10 =	sld [smem:$0x3FB8];
	_ =	sdelay $0x3  }
0x36: {  	p1 =	seq.s32 s10, $0x1;
	s10 =	sld [smem:$0x3FB9];
	_ =	sdelay $0x3  }
0x37: {  	[smem:$0x3FB9] =	sst s10  }
0x38: {  	s10 =	sld [smem:$0x3FBA]  }
0x39: {  	_ = 	snop;
	(pc) =	sbr.ind lr, $3  }
0x3a: {  	_ = 	snop  }
0x3b: {  	_ = 	snop  }
0x3c: {  	p2 =	seq.s32 s10, $0x1;
	s10 =	sld [smem:$0x3FB9]  }
0x3d: {  	_ =	shalt  }
0x3e: {  	_ =	shalt  }
0x3f: {  	_ =	shalt  }
0x40: {  	_ =	shalt  }
0x41: {  	_ =	shalt  }
0x42: {  	_ =	shalt  }
0x43: {  	_ =	shalt  }
0x44: {  	_ =	shalt  }
0x45: {  	_ =	shalt  }
0x46: {  	_ =	shalt  }
0x47: {  	_ =	shalt  }
0x48: {  	_ =	shalt  }
0x49: {  	_ =	shalt  }
0x4a: {  	_ =	shalt  }
0x4b: {  	_ =	shalt  }
0x4c: {  	_ =	shalt  }
0x4d: {  	_ =	shalt  }
0x4e: {  	_ =	shalt  }
0x4f: {  	_ =	shalt  }
0x50: {  	_ =	shalt  }
0x51: {  	_ =	shalt  }
0x52: {  	_ =	shalt  }
0x53: {  	_ =	shalt  }
0x54: {  	_ =	shalt  }
0x55: {  	_ =	shalt  }
0x56: {  	_ =	shalt  }
0x57: {  	_ =	shalt  }
0x58: {  	_ =	shalt  }
0x59: {  	_ =	shalt  }
0x5a: {  	_ =	shalt  }
0x5b: {  	_ =	shalt  }
0x5c: {  	_ =	shalt  }
0x5d: {  	_ =	shalt  }
0x5e: {  	_ =	shalt  }
0x5f: {  	_ =	shalt  }
0x60: {  	_ =	shalt  }
0x61: {  	_ =	shalt  }
0x62: {  	_ =	shalt  }
0x63: {  	_ =	shalt  }
0x64: {  	_ =	shalt  }
0x65: {  	_ =	shalt  }
0x66: {  	_ =	shalt  }
0x67: {  	_ =	shalt  }
0x68: {  	_ =	shalt  }
0x69: {  	_ =	shalt  }
0x6a: {  	_ =	shalt  }
0x6b: {  	_ =	shalt  }
0x6c: {  	_ =	shalt  }
0x6d: {  	_ =	shalt  }
0x6e: {  	_ =	shalt  }
0x6f: {  	_ =	shalt  }
0x70: {  	_ =	shalt  }
0x71: {  	_ =	shalt  }
0x72: {  	_ =	shalt  }
0x73: {  	_ =	shalt  }
0x74: {  	_ =	shalt  }
0x75: {  	_ =	shalt  }
0x76: {  	_ =	shalt  }
0x77: {  	_ =	shalt  }
0x78: {  	_ =	shalt  }
0x79: {  	_ =	shalt  }
0x7a: {  	_ =	shalt  }
0x7b: {  	_ =	shalt  }
0x7c: {  	_ =	shalt  }
0x7d: {  	_ =	shalt  }
0x7e: {  	_ =	shalt  }
0x7f: {  	_ =	shalt  }
0x80: {  	_ =	shalt  }
0x81: {  	_ =	shalt  }
0x82: {  	_ =	shalt  }
0x83: {  	_ =	shalt  }
0x84: {  	_ =	shalt  }
0x85: {  	_ =	shalt  }
0x86: {  	_ =	shalt  }
0x87: {  	_ =	shalt  }
.Lfunc_end0:
.L_simem_size_0:
called_computation.1_lowered:
.L_overlay_start_0:
0x88: {  	s2 =	sld [smem:$0x3FD9]  }
0x89: {  	s3 =	sld [smem:$0x3FFE];
	_ =	sdelay $0x1  }
0x8a: {  	s1 =	srdreg.scid  }
0x8b: {  	s0 =	sand.u32 $0x1, s1  }
0x8c: {  	s17 =	sshll.u32 s0, $0xA;
	s2 =	sadd.s32 s3, s2  }
0x8d: {  	s2 =	sadd.s32 s2, s17  }
0x8e: {  	[smem:$0x3FC5] =	sst s2  }
0x8f: {  	_ = 	snop  }
0x90: {  	s2 =	sld [smem:$0x3FD0];
	(tm) =	ssettm $0x1  }
0x91: {  	s18 =	sld [smem:$0x3FFB];
	_ =	sdelay $0x3  }
0x92: {  	_ =	strace s18  }
0x93: {  	s3 =	sld [smem:$0x3FFC];
	_ =	sdelay $0x3  }
0x94: {  	_ =	strace s3  }
0x95: {  	s3 =	sld [smem:$0x3FFD];
	_ =	sdelay $0x3  }
0x96: {  	_ =	strace s3  }
0x97: {  	_ =	strace $0x8FFFFFFF  }
0x98: {  	s19 =	sld [smem:$0x3FDB];
	_ =	sdelay $0x1  }
0x99: {  	s4 =	simm.s32 $_scs_section_size  }
0x9a: {  	s5 =	simm.s32 $_size__tile_overlayer_lowered;
	s6 =	simm.s32 $_tile_overlayer_lowered  }
0x9b: {  	s22 =	simm.s32 $0x1BFF;
	s21 =	sshll.u32 s6, $0x1;
	s3 =	sadd.s32 s4, s19  }
0x9c: {  	s7 =	simm.s32 $0x0;
	s20 =	sshll.u32 s5, $0x1;
	s5 =	sadd.s32 s21, s3  }
0x9d: {  	[timem:s7], [sflag:s22] =	dma.local [hbm:s5], s20  }
0x9e: {  	_ =	swait.ge [sflag:s22], s20  }
0x9f: {  	s4 =	ssub.s32 $0x0, s20;
	[sflag:s22] =	ssyncset.done $0x0  }
0xa0: {  	[sflag:s22] =	ssyncadd.s32 s4;
	_ =	sdelay $0x1  }
0xa1: {  	s23 =	simm.s32 $0x1B8B  }
0xa2: {  	_ =	swait.ge [sflag:s23], $0x1  }
0xa3: {  	[sflag:s23] =	ssyncset.done $0x0  }
0xa4: {  	s25 =	simm.s32 $0x1B8E;
	s24 =	sld [smem:$0x3FFE];
	[sflag:s23] =	ssyncadd.s32 $0xFFFFFFFF  }
0xa5: {  	s26 =	simm.s32 $execute0_lowered;
	[smem:$0x3FD2] =	sst s25  }
0xa6: {  	s5 =	sshll.u32 s26, $0x1;
	_ =	strace $0x80000046;
	[dreg:$0x1] =	wrdreg $0xFFFFFFFF  }
0xa7: {  	s28 =	simm.s32 $_size_execute0_lowered;
	s3 =	sadd.s32 s3, s5;
	[dreg:$0x0] =	wrdreg $0x0  }
0xa8: {  	s5 =	sshll.u32 s28, $0x1;
	[dreg:$0x2] =	wrdreg s3  }
0xa9: {  	[dreg:$0x3] =	wrdreg s5  }
0xaa: {  	[dreg:$0x4] =	wrdreg $0xC0  }
0xab: {  	_ =	task [dreg:s7], $0x5FFFF  }
0xac: {  	[dreg:$0x1] =	wrdreg $0xFFFFFFFF  }
0xad: {  	[dreg:$0x0] =	wrdreg $0x60  }
0xae: {  	[dreg:$0x2] =	wrdreg s2  }
0xaf: {  	[dreg:$0x3] =	wrdreg s24  }
0xb0: {  	[dreg:$0x4] =	wrdreg $0x9  }
0xb1: {  	_ =	task.clear_ibuf [dreg:s7], $0x5FFFF;
	_ =	strace $0x90000046  }
0xb2: {  	s29 =	simm.s32 $0x9;
	_ =	strace $0x80000048  }
0xb3: {  	_ =	swait.ge [sflag:s29], $0x1  }
0xb4: {  	[sflag:s29] =	ssyncadd.s32 $0xFFFFFFFF  }
0xb5: {  	_ =	strace $0x90000048  }
0xb6: {  	_ =	sfence  }
0xb7: {  	s30 =	sld [smem:$0x0];
	_ =	sdelay $0x2  }
0xb8: {  	s31 =	sshll.u32 s1, $0xD;
	s1 =	sshrl.u32 s1, $0x2  }
0xb9: {  	s3 =	sand.u32 $0x4000, s31;
	s1 =	sadd.s32 s1, s30  }
0xba: {  	s0 =	sor.u32 s3, s0;
	s1 =	sshll.u32 s1, $0x11  }
0xbb: {  	s0 =	sor.u32 s1, s0  }
0xbc: {  	s0 =	sadd.s32 $0x8F2B, s0  }
0xbd: {  	[sflag:s0] =	ssyncadd.remote.s32 $0x1  }
0xbe: {  	_ =	sfence.sel $0xFFFF  }
0xbf: {  	[dreg:$0x0] =	wrdreg $0xFFFFFFFF;
	(pc) =	sbr.abs _section_cstart, $3  }
0xc0: {  	[dreg:$0x1] =	wrdreg $0xFFFFFFFF  }
0xc1: {  	_ =	task.clear_ibuf [dreg:s7], $0x2FFFF;
	_ =	strace $0x9FFFFFFF  }
0xc2: {  	(tm) =	ssettm $0x7FFFFFFF  }
0xc3: {  	_ =	shalt  }
tec
execute0_lowered:
.L_overlay_start_1:
0x0: {  	(tag) =	ssettag $0x1  }
0x1: {  	s0 =	rddreg [dreg:$0x0]  }
0x2: {  	s1 =	rddreg [dreg:$0x1];
	s2 =	simm.s32 $0x0;
	s3 =	srdreg.scid  }
0x3: {  	s4 =	stileid.u32;
	s11 =	simm.s32 $0x80;
	s13 =	simm.s32 $0x3200  }
0x4: {  	s14 =	simm.s32 $0x48;
	s15 =	simm.s32 $0x1980;
	s16 =	simm.s32 $0x5200  }
0x5: {  	s17 =	simm.s32 $0x19C8;
	s18 =	simm.s32 $0x6400;
	s19 =	simm.s32 $0x1A48  }
0x6: {  	s20 =	simm.s32 $0x8400;
	s21 =	simm.s32 $0x1;
	s22 =	simm.s32 $0x40  }
0x7: {  	s23 =	simm.s32 $0x2;
	s24 =	simm.s32 $0x3;
	s25 =	simm.s32 $0x4  }
0x8: {  	s26 =	simm.s32 $0x0;
	[smem:$0x7FF] =	sst s2;
	s3 =	sand.u32 $0x1, s3  }
.Ltmp0:
0x9: {  	s4 =	sshll.u32 s4, $0x1;
	s5 =	sadd.s32 $0x7C1000, s1;
	(pc) =	sbr.rel .LBB2_1-.Ltmp0, $4  }
0xa: {  	_ =	strace $0x80000047;
	s6 =	ssub.s32 $0x2, s3;
	s7 =	sor.u32 s3, s4  }
0xb: {  	s3 =	sadd.s32 $0x1000, s1;
	s8 =	sshrl.u32 s6, $0x1;
	s9 =	smul.u32 $0x320, s7  }
0xc: {  	s4 =	sadd.s32 $0x800, s1;
	s31 =	ssub.s32 s6, s8;
	s6 =	sshll.u32 s7, $0x5  }
0xd: {  	s7 =	sadd.s32 s0, s9;
	s8 =	smax.u32 s31, $0x1;
	s9 =	simm.s32 $0x5  }
.LBB2_10:
0xe: {  	s26 =	sadd.s32 $0x1, s26  }
0xf: {  	p0 =	sne.s32 s26, s8  }
.Ltmp1:
0x10: {  	_ = 	snop;
	(pc) =	sbr.rel @!p0 .LBB2_11-.Ltmp1, $4  }
0x11: {  	_ = 	snop  }
0x12: {  	_ =	swait.ge [sflag:s25], $0x3200  }
0x13: {  	[sflag:s25] =	ssyncset.done $0x0  }
0x14: {  	[sflag:s25] =	ssyncadd.s32 $0xFFFFCE00  }
.LBB2_1:
0x15: {  	[tilespmem:s2], [sflag:$0x5] =	stream.linear.gather [hbm4b:s7+s2], $0x1900, $0x38;
	[tilespmem:$0xC800] =	vst v63  }
0x16: {  	_ =	swait.ge [sflag:s9], $0x1900  }
0x17: {  	[sflag:s9] =	ssyncset.done $0x0  }
0x18: {  	s0 =	simm.s32 $0x9600;
	[sflag:s9] =	ssyncadd.s32 $0xFFFFE700  }
0x19: {  	[tilespmem:s0], [sflag:$0x5] =	stream.linear.gather [hbm4b:s4+s2], $0x3200, $0x38;
	[tilespmem:$0xC800] =	vst v63  }
0x1a: {  	_ =	swait.ge [sflag:s9], $0x3200  }
0x1b: {  	[sflag:s9] =	ssyncset.done $0x0  }
0x1c: {  	s31 =	simm.s32 $0x20;
	[sflag:s9] =	ssyncadd.s32 $0xFFFFCE00  }
0x1d: {  	v0 =	vld [tilespmem:s31+$0xFFFFFFF0]  }
0x1e: {  	v1 =	vld [tilespmem:s31+$0x10]  }
0x1f: {  	v2 =	vld [tilespmem:s31+$0x0]  }
0x20: {  	v4 =	vld [tilespmem:s31+$0xFFFFFFE0];
	_ =	sdelay $0x1  }
0x21: {  	s1 =	simm.s32 $0x60  }
0x22: {  	v6 =	vld [tilespmem:s1+$0xFFFFFFF0];
	vm0 =	vlt.s32 v0, $0x7C000;
	v0 =	vshll.u32 v0, $0x1;
	v3 =	vshll.u32 v1, $0x1  }
0x23: {  	v5 =	vshll.u32 v2, $0x1;
	vm1 =	vlt.s32 v1, $0x7C000;
	vm2 =	vlt.s32 v2, $0x7C000  }
0x24: {  	v1 =	vld [tilespmem:s1+$0x10];
	v8 =	vshll.u32 v4, $0x1;
	v7 =	vadd.s32 $0xFFF08001, v3;
	v2 =	vadd.s32 $0xFFF08001, v5  }
0x25: {  	s0 =	simm.s32 $0x1920;
	vm0 =	vmmov vm0;
	v7 =	vsel vm1, v3, v7;
	v9 =	vsel vm2, v5, v2;
	v3 =	vld [tilespmem:s1+$0x0]  }
0x26: {  	vm2 =	vlt.s32 v4, $0x7C000;
	v5 =	vadd.s32 $0xFFF08001, v0;
	v2 =	vld [tilespmem:s1+$0xFFFFFFE0];
	[tilespmem:s0+$0x10] =	vst v7;
	v7 =	vadd.s32 $0xFFF08001, v8  }
0x27: {  	s10 =	simm.s32 $0x4;
	s12 =	simm.s32 $0xA0;
	vm1 =	vlt.s32 v6, $0x7C000;
	v4 =	vshll.u32 v6, $0x1;
	s1 =	simm.s32 $0x1920;
	[tilespmem:s0+$0x0] =	vst v9;
	v6 =	vsel vm2, v8, v7  }
.LBB2_2:
0x28: {  	s10 =	sadd.s32 $0x4, s10  }
0x29: {  	v7 =	vld [tilespmem:s12+$0xFFFFFFF0];
	v9 =	vshll.u32 v1, $0x1;
	[tilespmem:s0+$0xFFFFFFE0] =	vst v6;
	v5 =	vsel vm0, v0, v5;
	s1 =	sadd.s32 $0x40, s1;
	v0 =	vmovc v4;
	vm0 =	vmmov vm1;
	p0 =	slt.u32 s10, $0x18C  }
.Ltmp2:
0x2a: {  	vm1 =	vlt.s32 v1, $0x7C000;
	v4 =	vshll.u32 v3, $0x1;
	v1 =	vld [tilespmem:s12+$0x10];
	v6 =	vadd.s32 $0xFFF08001, v9;
	[tilespmem:s0+$0xFFFFFFF0] =	vst v5;
	s0 =	smov.u32 s1;
	(pc) =	sbr.rel @p0 .LBB2_2-.Ltmp2, $4  }
0x2b: {  	vm2 =	vlt.s32 v3, $0x7C000;
	v3 =	vld [tilespmem:s12+$0x0];
	v5 =	vadd.s32 $0xFFF08001, v4;
	v6 =	vsel vm1, v9, v6;
	v8 =	vmovc v2  }
0x2c: {  	v2 =	vld [tilespmem:s12+$0xFFFFFFE0];
	v9 =	vshll.u32 v8, $0x1;
	v4 =	vsel vm2, v4, v5;
	[tilespmem:s1+$0x10] =	vst v6  }
0x2d: {  	vm2 =	vlt.s32 v8, $0x7C000;
	v5 =	vadd.s32 $0xFFF08001, v0;
	v6 =	vadd.s32 $0xFFF08001, v9;
	[tilespmem:s1+$0x0] =	vst v4  }
0x2e: {  	s12 =	sadd.s32 $0x40, s12;
	vm1 =	vlt.s32 v7, $0x7C000;
	v4 =	vshll.u32 v7, $0x1;
	v6 =	vsel vm2, v9, v6  }
0x2f: {  	v7 =	vshll.u32 v1, $0x1;
	v0 =	vsel vm0, v0, v5;
	vm14 =	vlt.s32 v1, $0x7C000  }
0x30: {  	[tilespmem:s0+$0xFFFFFFE0] =	vst v6;
	vm1 =	vmmov vm1;
	v61 =	vadd.s32 $0xFFF08001, v4;
	v56 =	vshll.u32 v3, $0x1  }
0x31: {  	s1 =	sadd.s32 $0x40, s1;
	v57 =	vadd.s32 $0xFFF08001, v7;
	vm2 =	vlt.s32 v3, $0x7C000;
	[tilespmem:s0+$0xFFFFFFF0] =	vst v0;
	v63 =	vsel vm1, v4, v61  }
0x32: {  	v58 =	vadd.s32 $0xFFF08001, v56;
	v1 =	vsel vm14, v7, v57;
	v59 =	vshll.u32 v2, $0x1;
	[tilespmem:s1+$0xFFFFFFF0] =	vst v63  }
0x33: {  	vm15 =	vlt.s32 v2, $0x7C000;
	v0 =	vsel vm2, v56, v58;
	[tilespmem:s1+$0x10] =	vst v1;
	v60 =	vadd.s32 $0xFFF08001, v59  }
0x34: {  	[tilespmem:s1+$0x0] =	vst v0;
	v62 =	vsel vm15, v59, v60  }
0x35: {  	s31 =	simm.s32 $0x1900;
	[tilespmem:s1+$0xFFFFFFE0] =	vst v62  }
0x36: {  	[tilespmem:s13], [sflag:$0x1] =	stream.indirect.gather [hbm4b:s3+s11], $0x40, s31, s11, $0xb8;
	[tilespmem:$0xC800] =	vst v63  }
0x37: {  	_ = 	snop  }
0x38: {  	[tilespmem:s16], [sflag:$0x1] =	stream.indirect.gather [hbm4b:s3+s14], $0x40, s15, s14, $0xb8;
	[tilespmem:$0xC800] =	vst v63  }
0x39: {  	_ = 	snop  }
0x3a: {  	[tilespmem:s18], [sflag:$0x2] =	stream.indirect.gather [hbm4b:s3+s11], $0x40, s17, s11, $0xb8;
	[tilespmem:$0xC800] =	vst v63  }
0x3b: {  	s28 =	simm.s32 $0x0  }
0x3c: {  	[tilespmem:s20], [sflag:$0x2] =	stream.indirect.gather [hbm4b:s3+s14], $0x40, s19, s14, $0xb8;
	[tilespmem:$0xC800] =	vst v63  }
.LBB2_4:
0x3d: {  	_ =	swait.ge [sflag:s21], $0x2000  }
0x3e: {  	[sflag:s21] =	ssyncset.done $0x0  }
0x3f: {  	[sflag:s21] =	ssyncadd.s32 $0xFFFFE000  }
0x40: {  	_ =	swait.ge [sflag:s21], $0x1200  }
0x41: {  	[sflag:s21] =	ssyncset.done $0x0  }
0x42: {  	s30 =	simm.s32 $0x3240;
	[sflag:s21] =	ssyncadd.s32 $0xFFFFEE00  }
0x43: {  	s0 =	simm.s32 $0x9640;
	v0 =	vld [tilespmem:s30+$0x0]  }
0x44: {  	v1 =	vld [tilespmem:s0+$0x0];
	_ =	sdelay $0x1  }
0x45: {  	v2 =	vld [tilespmem:s0+$0xFFFFFFC0]  }
0x46: {  	v3 =	vld [tilespmem:s30+$0xFFFFFFC0];
	_ =	sdelay $0x1  }
0x47: {  	v0 =	vadd.f32 v1, v0;
	_ =	sdelay $0x1  }
0x48: {  	[tilespmem:s30+$0x0] =	vst v0;
	v0 =	vld [tilespmem:s30+$0x10]  }
0x49: {  	v1 =	vadd.f32 v2, v3;
	v2 =	vld [tilespmem:s0+$0x10]  }
0x4a: {  	v4 =	vld [tilespmem:s30+$0xFFFFFFE0]  }
0x4b: {  	v5 =	vld [tilespmem:s30+$0x20]  }
0x4c: {  	v3 =	vld [tilespmem:s30+$0xFFFFFFD0];
	[tilespmem:s30+$0xFFFFFFC0] =	vst v1  }
0x4d: {  	s31 =	simm.s32 $0x32C0;
	v1 =	vld [tilespmem:s0+$0xFFFFFFD0]  }
0x4e: {  	s29 =	simm.s32 $0x96C0;
	v6 =	vld [tilespmem:s31+$0x0];
	v0 =	vadd.f32 v2, v0  }
0x4f: {  	v7 =	vld [tilespmem:s29+$0x0]  }
0x50: {  	v9 =	vld [tilespmem:s29+$0xFFFFFFC0];
	[tilespmem:s30+$0x10] =	vst v0  }
0x51: {  	v8 =	vld [tilespmem:s0+$0x20]  }
0x52: {  	v1 =	vadd.f32 v1, v3;
	v3 =	vld [tilespmem:s31+$0xFFFFFFC0]  }
0x53: {  	v2 =	vld [tilespmem:s31+$0xFFFFFFD0]  }
0x54: {  	v0 =	vld [tilespmem:s30+$0xFFFFFFF0];
	[tilespmem:s30+$0xFFFFFFD0] =	vst v1;
	v1 =	vadd.f32 v7, v6  }
0x55: {  	v6 =	vld [tilespmem:s0+$0xFFFFFFE0]  }
0x56: {  	v7 =	vld [tilespmem:s30+$0x30];
	[tilespmem:s31+$0x0] =	vst v1;
	v5 =	vadd.f32 v8, v5  }
0x57: {  	v1 =	vadd.f32 v9, v3;
	v9 =	vld [tilespmem:s29+$0x10]  }
0x58: {  	v8 =	vld [tilespmem:s31+$0x10];
	[tilespmem:s30+$0x20] =	vst v5  }
0x59: {  	v10 =	vld [tilespmem:s0+$0x30]  }
0x5a: {  	v3 =	vld [tilespmem:s31+$0xFFFFFFF0];
	[tilespmem:s31+$0xFFFFFFC0] =	vst v1;
	v4 =	vadd.f32 v6, v4  }
0x5b: {  	v6 =	vld [tilespmem:s29+$0xFFFFFFD0]  }
0x5c: {  	v1 =	vld [tilespmem:s31+$0xFFFFFFE0];
	[tilespmem:s30+$0xFFFFFFE0] =	vst v4  }
0x5d: {  	v4 =	vld [tilespmem:s0+$0xFFFFFFF0];
	v8 =	vadd.f32 v9, v8  }
0x5e: {  	s1 =	simm.s32 $0x2;
	s10 =	simm.s32 $0x3340;
	v5 =	vld [tilespmem:s31+$0x20];
	s0 =	simm.s32 $0x96C0;
	v7 =	vadd.f32 v10, v7  }
.LBB2_5:
0x5f: {  	v9 =	vld [tilespmem:s10+$0x0];
	[tilespmem:s31+$0x10] =	vst v8;
	s29 =	sadd.s32 $0x80, s29  }
0x60: {  	v8 =	vld [tilespmem:s29+$0x0];
	v2 =	vadd.f32 v6, v2;
	[tilespmem:s30+$0x30] =	vst v7  }
0x61: {  	s1 =	sadd.s32 $0x2, s1;
	v6 =	vld [tilespmem:s0+$0x20]  }
0x62: {  	p0 =	slt.u32 s1, $0xC6;
	v7 =	vld [tilespmem:s29+$0xFFFFFFC0];
	[tilespmem:s31+$0xFFFFFFD0] =	vst v2;
	v4 =	vadd.f32 v4, v0;
	v0 =	vmov v3  }
0x63: {  	v3 =	vld [tilespmem:s10+$0xFFFFFFC0]  }
0x64: {  	v2 =	vld [tilespmem:s10+$0xFFFFFFD0];
	[tilespmem:s30+$0xFFFFFFF0] =	vst v4;
	s30 =	smov.u32 s31;
	s31 =	smov.u32 s10  }
0x65: {  	v4 =	vadd.f32 v8, v9;
	v8 =	vld [tilespmem:s0+$0xFFFFFFE0]  }
0x66: {  	v5 =	vadd.f32 v6, v5;
	v9 =	vld [tilespmem:s30+$0x30]  }
0x67: {  	[tilespmem:s10+$0x0] =	vst v4;
	v4 =	vld [tilespmem:s10+$0x10]  }
0x68: {  	v3 =	vadd.f32 v7, v3;
	v7 =	vld [tilespmem:s29+$0x10];
	[tilespmem:s30+$0x20] =	vst v5  }
0x69: {  	v10 =	vld [tilespmem:s0+$0x30]  }
.Ltmp3:
0x6a: {  	[tilespmem:s10+$0xFFFFFFC0] =	vst v3;
	v5 =	vadd.f32 v8, v1;
	v1 =	vld [tilespmem:s10+$0xFFFFFFE0];
	(pc) =	sbr.rel @p0 .LBB2_5-.Ltmp3, $4  }
0x6b: {  	v6 =	vld [tilespmem:s29+$0xFFFFFFD0]  }
0x6c: {  	v3 =	vld [tilespmem:s10+$0xFFFFFFF0];
	[tilespmem:s30+$0xFFFFFFE0] =	vst v5  }
0x6d: {  	v8 =	vadd.f32 v7, v4;
	v4 =	vld [tilespmem:s0+$0xFFFFFFF0];
	s0 =	smov.u32 s29  }
0x6e: {  	s10 =	sadd.s32 $0x80, s10;
	v5 =	vld [tilespmem:s31+$0x20];
	v7 =	vadd.f32 v10, v9  }
0x6f: {  	_ = 	snop  }
0x70: {  	v2 =	vadd.f32 v6, v2  }
0x71: {  	[tilespmem:s31+$0x10] =	vst v8  }
0x72: {  	v6 =	vld [tilespmem:s0+$0x20];
	[tilespmem:s31+$0xFFFFFFD0] =	vst v2  }
0x73: {  	v2 =	vld [tilespmem:s0+$0xFFFFFFE0];
	_ =	sdelay $0x3  }
0x74: {  	v5 =	vadd.f32 v6, v5  }
0x75: {  	v1 =	vadd.f32 v2, v1  }
0x76: {  	v6 =	vld [tilespmem:s31+$0x30];
	[tilespmem:s31+$0x20] =	vst v5  }
0x77: {  	v2 =	vld [tilespmem:s0+$0x30];
	[tilespmem:s31+$0xFFFFFFE0] =	vst v1  }
0x78: {  	v1 =	vld [tilespmem:s0+$0xFFFFFFF0];
	_ =	sdelay $0x2  }
0x79: {  	s29 =	sshll.u32 s28, $0x1;
	v0 =	vadd.f32 v4, v0  }
0x7a: {  	[tilespmem:s30+$0x30] =	vst v7;
	s12 =	sadd.s32 s6, s29;
	v2 =	vadd.f32 v2, v6  }
0x7b: {  	[tilespmem:s30+$0xFFFFFFF0] =	vst v0;
	s0 =	smul.u32 $0xC80, s12;
	v0 =	vadd.f32 v1, v3  }
0x7c: {  	[tilespmem:s31+$0x30] =	vst v2  }
0x7d: {  	s0 =	sadd.s32 s5, s0;
	[tilespmem:s31+$0xFFFFFFF0] =	vst v0  }
0x7e: {  	[hbm4b:s0+s22] =	stream.strided.scatter [tilespmem:s13], [sflag:$0x3], $0x3200, s11, s22, $0x38;
	[tilespmem:$0xC800] =	vst v63  }
0x7f: {  	_ =	swait.ge [sflag:s23], $0x2000  }
0x80: {  	[sflag:s23] =	ssyncset.done $0x0  }
0x81: {  	[sflag:s23] =	ssyncadd.s32 $0xFFFFE000  }
0x82: {  	_ =	swait.ge [sflag:s23], $0x1200  }
0x83: {  	[sflag:s23] =	ssyncset.done $0x0  }
0x84: {  	s30 =	simm.s32 $0x6440;
	[sflag:s23] =	ssyncadd.s32 $0xFFFFEE00  }
0x85: {  	s1 =	simm.s32 $0x9640;
	v0 =	vld [tilespmem:s30+$0x0]  }
0x86: {  	v1 =	vld [tilespmem:s1+$0x0];
	_ =	sdelay $0x1  }
0x87: {  	v2 =	vld [tilespmem:s1+$0xFFFFFFC0]  }
0x88: {  	v3 =	vld [tilespmem:s30+$0xFFFFFFC0];
	_ =	sdelay $0x1  }
0x89: {  	v0 =	vadd.f32 v1, v0;
	_ =	sdelay $0x1  }
0x8a: {  	[tilespmem:s30+$0x0] =	vst v0;
	v0 =	vld [tilespmem:s30+$0x10]  }
0x8b: {  	v1 =	vadd.f32 v2, v3;
	v2 =	vld [tilespmem:s1+$0x10]  }
0x8c: {  	v4 =	vld [tilespmem:s30+$0xFFFFFFE0]  }
0x8d: {  	v5 =	vld [tilespmem:s30+$0x20]  }
0x8e: {  	v3 =	vld [tilespmem:s30+$0xFFFFFFD0];
	[tilespmem:s30+$0xFFFFFFC0] =	vst v1  }
0x8f: {  	s31 =	simm.s32 $0x64C0;
	v1 =	vld [tilespmem:s1+$0xFFFFFFD0]  }
0x90: {  	s0 =	simm.s32 $0x96C0;
	v6 =	vld [tilespmem:s31+$0x0];
	v0 =	vadd.f32 v2, v0  }
0x91: {  	v7 =	vld [tilespmem:s0+$0x0]  }
0x92: {  	v9 =	vld [tilespmem:s0+$0xFFFFFFC0];
	[tilespmem:s30+$0x10] =	vst v0  }
0x93: {  	v8 =	vld [tilespmem:s1+$0x20]  }
0x94: {  	v1 =	vadd.f32 v1, v3;
	v3 =	vld [tilespmem:s31+$0xFFFFFFC0]  }
0x95: {  	v2 =	vld [tilespmem:s31+$0xFFFFFFD0]  }
0x96: {  	v0 =	vld [tilespmem:s30+$0xFFFFFFF0];
	[tilespmem:s30+$0xFFFFFFD0] =	vst v1;
	v1 =	vadd.f32 v7, v6  }
0x97: {  	v6 =	vld [tilespmem:s1+$0xFFFFFFE0]  }
0x98: {  	v7 =	vld [tilespmem:s30+$0x30];
	[tilespmem:s31+$0x0] =	vst v1;
	v5 =	vadd.f32 v8, v5  }
0x99: {  	v1 =	vadd.f32 v9, v3;
	v9 =	vld [tilespmem:s0+$0x10]  }
0x9a: {  	v8 =	vld [tilespmem:s31+$0x10];
	[tilespmem:s30+$0x20] =	vst v5  }
0x9b: {  	v10 =	vld [tilespmem:s1+$0x30]  }
0x9c: {  	v3 =	vld [tilespmem:s31+$0xFFFFFFF0];
	[tilespmem:s31+$0xFFFFFFC0] =	vst v1;
	v4 =	vadd.f32 v6, v4  }
0x9d: {  	v6 =	vld [tilespmem:s0+$0xFFFFFFD0]  }
0x9e: {  	v1 =	vld [tilespmem:s31+$0xFFFFFFE0];
	[tilespmem:s30+$0xFFFFFFE0] =	vst v4  }
0x9f: {  	v4 =	vld [tilespmem:s1+$0xFFFFFFF0];
	v8 =	vadd.f32 v9, v8  }
0xa0: {  	s10 =	simm.s32 $0x2;
	s12 =	simm.s32 $0x6540;
	v5 =	vld [tilespmem:s31+$0x20];
	s1 =	simm.s32 $0x96C0;
	v7 =	vadd.f32 v10, v7  }
.LBB2_7:
0xa1: {  	v9 =	vld [tilespmem:s12+$0x0];
	[tilespmem:s31+$0x10] =	vst v8;
	s0 =	sadd.s32 $0x80, s0  }
0xa2: {  	v8 =	vld [tilespmem:s0+$0x0];
	v2 =	vadd.f32 v6, v2;
	[tilespmem:s30+$0x30] =	vst v7  }
0xa3: {  	s10 =	sadd.s32 $0x2, s10;
	v6 =	vld [tilespmem:s1+$0x20]  }
0xa4: {  	p0 =	slt.u32 s10, $0xC6;
	v7 =	vld [tilespmem:s0+$0xFFFFFFC0];
	[tilespmem:s31+$0xFFFFFFD0] =	vst v2;
	v4 =	vadd.f32 v4, v0;
	v0 =	vmov v3  }
0xa5: {  	v3 =	vld [tilespmem:s12+$0xFFFFFFC0]  }
0xa6: {  	v2 =	vld [tilespmem:s12+$0xFFFFFFD0];
	[tilespmem:s30+$0xFFFFFFF0] =	vst v4;
	s30 =	smov.u32 s31;
	s31 =	smov.u32 s12  }
0xa7: {  	v4 =	vadd.f32 v8, v9;
	v8 =	vld [tilespmem:s1+$0xFFFFFFE0]  }
0xa8: {  	v5 =	vadd.f32 v6, v5;
	v9 =	vld [tilespmem:s30+$0x30]  }
0xa9: {  	[tilespmem:s12+$0x0] =	vst v4;
	v4 =	vld [tilespmem:s12+$0x10]  }
0xaa: {  	v3 =	vadd.f32 v7, v3;
	v7 =	vld [tilespmem:s0+$0x10];
	[tilespmem:s30+$0x20] =	vst v5  }
0xab: {  	v10 =	vld [tilespmem:s1+$0x30]  }
.Ltmp4:
0xac: {  	[tilespmem:s12+$0xFFFFFFC0] =	vst v3;
	v5 =	vadd.f32 v8, v1;
	v1 =	vld [tilespmem:s12+$0xFFFFFFE0];
	(pc) =	sbr.rel @p0 .LBB2_7-.Ltmp4, $4  }
0xad: {  	v6 =	vld [tilespmem:s0+$0xFFFFFFD0]  }
0xae: {  	v3 =	vld [tilespmem:s12+$0xFFFFFFF0];
	[tilespmem:s30+$0xFFFFFFE0] =	vst v5  }
0xaf: {  	v8 =	vadd.f32 v7, v4;
	v4 =	vld [tilespmem:s1+$0xFFFFFFF0];
	s1 =	smov.u32 s0  }
0xb0: {  	s12 =	sadd.s32 $0x80, s12;
	v5 =	vld [tilespmem:s31+$0x20];
	v7 =	vadd.f32 v10, v9  }
0xb1: {  	_ = 	snop  }
0xb2: {  	v2 =	vadd.f32 v6, v2  }
0xb3: {  	[tilespmem:s31+$0x10] =	vst v8  }
0xb4: {  	v60 =	vld [tilespmem:s1+$0x20];
	[tilespmem:s31+$0xFFFFFFD0] =	vst v2  }
0xb5: {  	v2 =	vld [tilespmem:s1+$0xFFFFFFE0];
	_ =	sdelay $0x3  }
0xb6: {  	v5 =	vadd.f32 v60, v5  }
0xb7: {  	v1 =	vadd.f32 v2, v1  }
0xb8: {  	v61 =	vld [tilespmem:s31+$0x30];
	[tilespmem:s31+$0x20] =	vst v5  }
0xb9: {  	v62 =	vld [tilespmem:s1+$0x30];
	[tilespmem:s31+$0xFFFFFFE0] =	vst v1  }
0xba: {  	v1 =	vld [tilespmem:s1+$0xFFFFFFF0];
	_ =	sdelay $0x2  }
0xbb: {  	s0 =	sadd.s32 s29, s6;
	v0 =	vadd.f32 v4, v0  }
0xbc: {  	[tilespmem:s30+$0x30] =	vst v7;
	s0 =	smul.u32 $0xC80, s0;
	v2 =	vadd.f32 v62, v61  }
0xbd: {  	[tilespmem:s30+$0xFFFFFFF0] =	vst v0;
	v63 =	vadd.f32 v1, v3  }
0xbe: {  	p0 =	seq.s32 s28, $0xF;
	s0 =	sadd.s32 s5, s0;
	[tilespmem:s31+$0x30] =	vst v2  }
.Ltmp5:
0xbf: {  	s0 =	sadd.s32 $0xC80, s0;
	[tilespmem:s31+$0xFFFFFFF0] =	vst v63;
	(pc) =	sbr.rel @p0 .LBB2_10-.Ltmp5, $4  }
0xc0: {  	[hbm4b:s0+s22] =	stream.strided.scatter [tilespmem:s18], [sflag:$0x4], $0x3200, s11, s22, $0x38;
	[tilespmem:$0xC800] =	vst v63  }
0xc1: {  	_ =	swait.ge [sflag:s24], $0x3200  }
0xc2: {  	[sflag:s24] =	ssyncset.done $0x0  }
0xc3: {  	[sflag:s24] =	ssyncadd.s32 $0xFFFFCE00  }
0xc4: {  	s0 =	smul.u32 $0x640, s28;
	_ =	sdelay $0x1  }
0xc5: {  	s0 =	sshra.s32 s0, $0x2  }
0xc6: {  	s1 =	sadd.s32 $0x1A90, s0  }
0xc7: {  	[tilespmem:s13], [sflag:$0x1] =	stream.indirect.gather [hbm4b:s3+s11], $0x40, s1, s11, $0xb8;
	[tilespmem:$0xC800] =	vst v63  }
0xc8: {  	s30 =	sadd.s32 $0x1B10, s0  }
0xc9: {  	[tilespmem:s16], [sflag:$0x1] =	stream.indirect.gather [hbm4b:s3+s14], $0x40, s30, s14, $0xb8;
	[tilespmem:$0xC800] =	vst v63  }
0xca: {  	_ =	swait.ge [sflag:s25], $0x3200  }
.Ltmp6:
0xcb: {  	[sflag:s25] =	ssyncset.done $0x0;
	(pc) =	sbr.rel .LBB2_4-.Ltmp6, $4  }
0xcc: {  	s31 =	sadd.s32 $0x1B58, s0;
	[sflag:s25] =	ssyncadd.s32 $0xFFFFCE00  }
0xcd: {  	[tilespmem:s18], [sflag:$0x2] =	stream.indirect.gather [hbm4b:s3+s11], $0x40, s31, s11, $0xb8;
	[tilespmem:$0xC800] =	vst v63  }
0xce: {  	s28 =	sadd.s32 $0x1, s28;
	s0 =	sadd.s32 $0x1BD8, s0  }
0xcf: {  	[tilespmem:s20], [sflag:$0x2] =	stream.indirect.gather [hbm4b:s3+s14], $0x40, s0, s14, $0xb8;
	[tilespmem:$0xC800] =	vst v63  }
.LBB2_11:
0xd0: {  	_ =	sfence.sel $0x180000  }
0xd1: {  	[bflag:$0x0] =	sbarrier.arrive $0xFFFF  }
0xd2: {  	_ =	strace $0x90000047  }
0xd3: {  	s0 =	stileid.u32;
	[bflag:$0x2] =	sbarrier.arrive $0xFFFF  }
0xd4: {  	p0 =	sne.s32 s0, $0x0;
	s0 =	rddreg [dreg:$0x2]  }
0xd5: {  	s0 =	sadd.s32 @!p0 $0x100000, s0  }
0xd6: {  	[sflag:s0] =	ssyncadd.tile.s32 @!p0 $0x1;
	_ =	shalt  }
.Lfunc_end2:
_tile_overlayer_lowered:
.L_overlay_start_2:
0xd7: {  	(tag) =	ssettag $0x2  }
0xd8: {  	s0 =	rddreg [dreg:$0x0];
	s2 =	stileid.u32  }
0xd9: {  	s1 =	rddreg [dreg:$0x1];
	p0 =	sne.s32 s2, $0x0  }
0xda: {  	s3 =	rddreg [dreg:$0x2];
	[bflag:$0x3] =	sbarrier.arrive $0xFFFF;
	s2 =	simm.s32 @!p0 $0x1C05  }
0xdb: {  	[timem:s3], [sflag:s2] =	dma.local @!p0 [hbm:s0], s1  }
0xdc: {  	s0 =	simm.s32 @!p0 $0x5  }
0xdd: {  	_ =	swait.ge @!p0 [sflag:s0], s1  }
0xde: {  	s1 =	ssub.s32 @!p0 $0x0, s1;
	[sflag:s0] =	ssyncset.done @!p0 $0x0  }
0xdf: {  	[sflag:s0] =	ssyncadd.s32 @!p0 s1  }
0xe0: {  	[bflag:$0x3] =	sbarrier.arrive $0xFFFF  }
0xe1: {  	_ =	shalt  }

// kernel: sparse-core-data-format-call.cloned.1.call-start
scs
called_computation_lowered:
.L_overlay_start_0:
0x0: {  	s2 =	sld [smem:$0x3FD9]  }
0x1: {  	s3 =	sld [smem:$0x3FFE];
	_ =	sdelay $0x1  }
0x2: {  	s1 =	srdreg.scid  }
0x3: {  	s0 =	sand.u32 $0x1, s1  }
0x4: {  	s18 =	sshll.u32 s0, $0xA;
	s2 =	sadd.s32 s3, s2  }
0x5: {  	s2 =	sadd.s32 s2, s18  }
0x6: {  	[smem:$0x3FC5] =	sst s2  }
0x7: {  	_ = 	snop  }
0x8: {  	s2 =	sld [smem:$0x3FD0];
	(tm) =	ssettm $0x1  }
0x9: {  	s19 =	sld [smem:$0x3FFB];
	_ =	sdelay $0x3  }
0xa: {  	_ =	strace s19  }
0xb: {  	s3 =	sld [smem:$0x3FFC];
	_ =	sdelay $0x3  }
0xc: {  	_ =	strace s3  }
0xd: {  	s3 =	sld [smem:$0x3FFD];
	_ =	sdelay $0x3  }
0xe: {  	_ =	strace s3  }
0xf: {  	_ =	strace $0x8FFFFFFF  }
0x10: {  	s20 =	sld [smem:$0x3FDB];
	_ =	sdelay $0x1  }
0x11: {  	s4 =	simm.s32 $_scs_section_size  }
0x12: {  	s5 =	simm.s32 $_size__tile_overlayer_lowered;
	s6 =	simm.s32 $_tile_overlayer_lowered  }
0x13: {  	s23 =	simm.s32 $0x1BFF;
	s22 =	sshll.u32 s6, $0x1;
	s3 =	sadd.s32 s4, s20  }
0x14: {  	s7 =	simm.s32 $0x0;
	s21 =	sshll.u32 s5, $0x1;
	s5 =	sadd.s32 s22, s3  }
0x15: {  	[timem:s7], [sflag:s23] =	dma.local [hbm:s5], s21  }
0x16: {  	_ =	swait.ge [sflag:s23], s21  }
0x17: {  	s4 =	ssub.s32 $0x0, s21;
	[sflag:s23] =	ssyncset.done $0x0  }
0x18: {  	[sflag:s23] =	ssyncadd.s32 s4;
	_ =	sdelay $0x1  }
0x19: {  	s24 =	simm.s32 $0x1B8B  }
0x1a: {  	_ =	swait.ge [sflag:s24], $0x1  }
0x1b: {  	[sflag:s24] =	ssyncset.done $0x0  }
0x1c: {  	s26 =	simm.s32 $0x1B8E;
	s25 =	sld [smem:$0x3FFE];
	[sflag:s24] =	ssyncadd.s32 $0xFFFFFFFF  }
0x1d: {  	s27 =	simm.s32 $execute0_lowered;
	[smem:$0x3FD2] =	sst s26  }
0x1e: {  	s5 =	sshll.u32 s27, $0x1;
	_ =	strace $0x80000049;
	[dreg:$0x1] =	wrdreg $0xFFFFFFFF  }
0x1f: {  	s28 =	simm.s32 $_size_execute0_lowered;
	s3 =	sadd.s32 s3, s5;
	[dreg:$0x0] =	wrdreg $0x0  }
0x20: {  	s5 =	sshll.u32 s28, $0x1;
	[dreg:$0x2] =	wrdreg s3  }
0x21: {  	[dreg:$0x3] =	wrdreg s5  }
0x22: {  	[dreg:$0x4] =	wrdreg $0xC0  }
0x23: {  	_ =	task [dreg:s7], $0x5FFFF  }
0x24: {  	[dreg:$0x1] =	wrdreg $0xFFFFFFFF  }
0x25: {  	[dreg:$0x0] =	wrdreg $0x60  }
0x26: {  	[dreg:$0x2] =	wrdreg s25  }
0x27: {  	[dreg:$0x3] =	wrdreg s2  }
0x28: {  	[dreg:$0x4] =	wrdreg $0x9  }
0x29: {  	_ =	task.clear_ibuf [dreg:s7], $0x5FFFF;
	_ =	strace $0x90000049  }
0x2a: {  	s29 =	simm.s32 $0x9;
	_ =	strace $0x8000004B  }
0x2b: {  	_ =	swait.ge [sflag:s29], $0x1  }
0x2c: {  	[sflag:s29] =	ssyncadd.s32 $0xFFFFFFFF  }
0x2d: {  	_ =	strace $0x9000004B  }
0x2e: {  	_ =	sfence  }
0x2f: {  	s30 =	sld [smem:$0x0];
	_ =	sdelay $0x2  }
0x30: {  	s31 =	sshll.u32 s1, $0xD;
	s1 =	sshrl.u32 s1, $0x2  }
0x31: {  	s3 =	sand.u32 $0x4000, s31;
	s1 =	sadd.s32 s1, s30  }
0x32: {  	s0 =	sor.u32 s3, s0;
	s1 =	sshll.u32 s1, $0x11  }
0x33: {  	s0 =	sor.u32 s1, s0  }
0x34: {  	s0 =	sadd.s32 $0x8F2B, s0  }
0x35: {  	[sflag:s0] =	ssyncadd.remote.s32 $0x1  }
0x36: {  	_ =	sfence.sel $0xFFFF  }
0x37: {  	[dreg:$0x0] =	wrdreg $0xFFFFFFFF;
	(pc) =	sbr.abs _section_cstart, $3  }
0x38: {  	[dreg:$0x1] =	wrdreg $0xFFFFFFFF  }
0x39: {  	_ =	task.clear_ibuf [dreg:s7], $0x2FFFF;
	_ =	strace $0x9FFFFFFF  }
0x3a: {  	(tm) =	ssettm $0x7FFFFFFF  }
0x3b: {  	_ =	shalt  }
tec
execute0_lowered:
.L_overlay_start_1:
0x0: {  	(tag) =	ssettag $0x1  }
0x1: {  	s0 =	stileid.u32;
	s6 =	rddreg [dreg:$0x0]  }
0x2: {  	s2 =	rddreg [dreg:$0x1];
	s5 =	srdreg.scid  }
0x3: {  	s31 =	simm.s32 $0x2;
	s13 =	simm.s32 $0x0;
	s1 =	sshll.u32 s0, $0x7  }
0x4: {  	s14 =	simm.s32 $0x0;
	s12 =	simm.s32 $0x0;
	s3 =	sand.u32 $0x380, s1  }
0x5: {  	s5 =	sshll.u32 s5, $0x4;
	s6 =	sadd.s32 $0x7C1000, s6;
	s4 =	ssub.s32 $0x400, s3  }
0x6: {  	s1 =	rddreg [dreg:$0x2];
	_ =	strace $0x8000004A;
	s7 =	sand.u32 $0x380, s4  }
0x7: {  	s5 =	sand.u32 $0x10, s5;
	p0 =	sne.s32 s7, $0x0;
	s7 =	simm.s32 $0x1  }
.Ltmp0:
0x8: {  	s8 =	sshrl.u32 s4, $0xA;
	s7 =	simm.s32 @!p0 $0x0;
	(pc) =	sbr.rel .LBB1_1-.Ltmp0, $4  }
0x9: {  	s9 =	sor.u32 s0, s5;
	s4 =	simm.s32 $0x1;
	s30 =	sadd.s32 s7, s8  }
0xa: {  	s11 =	smov.u32 s3;
	[sflag:s4] =	ssyncpa.u1 $0x0;
	s5 =	smul.u32 $0x32, s30  }
0xb: {  	[sflag:s31] =	ssyncpa.u1 $0x0;
	p0 =	por $0x0, $0x0;
	s7 =	sshrl.u32 s9, $0x3  }
0xc: {  	s9 =	simm.s32 $0x2000;
	s10 =	smov.u32 s7;
	s8 =	sor.u32 $0x1, s5  }
.LBB1_4:
0xd: {  	s17 =	sand.u32 $0x1F80, s14;
	s13 =	sshll.u32 s13, $0xD  }
0xe: {  	[tilespmem:s16+$0x810 ss:$0x81] =	vst.msk $0xffff, v2;
	s18 =	sshrl.u32 s14, $0x3;
	s31 =	sand.u32 $0x7, s14;
	s17 =	sadd.s32 s2, s17  }
0xf: {  	[tilespmem:s16+$0x1020 ss:$0x81] =	vst.msk $0xffff, v0;
	s18 =	sand.u32 $0xF, s18;
	s14 =	sshll.u32 s31, $0x12;
	s13 =	sadd.s32 s13, s17  }
0x10: {  	[tilespmem:s16+$0x0 ss:$0x81] =	vst.msk $0xffff, v1;
	s14 =	sor.u32 $0x400, s14;
	s13 =	sadd.s32 s18, s13  }
0x11: {  	[hbm4b:s13+s14] =	stream.strided.scatter [tilespmem:s15], [sflag:$0x2], $0x2000, s9, s14, $0x20;
	[tilespmem:$0x8080] =	vst v63  }
.LBB1_5:
0x12: {  	s15 =	sadd.s32 $0x4, s10  }
0x13: {  	s13 =	sadd.s32 $0x400, s11;
	s17 =	smov.u32 s11;
	p2 =	sgt.s32 s15, $0xC7  }
0x14: {  	s17 =	smov.u32 @p2 s13  }
0x15: {  	s15 =	smov.u32 @p2 s7;
	p2 =	sgt.s32 s17, $0x3FF  }
0x16: {  	s17 =	smov.u32 @p2 s3;
	p2 =	sne.s32 s12, s8  }
.Ltmp1:
0x17: {  	p1 =	slt.u32 s12, $0x2;
	(pc) =	sbr.rel @!p2 .LBB1_6-.Ltmp1, $4  }
0x18: {  	s16 =	simm.s32 @!p1 $0x2  }
0x19: {  	s14 =	smov.u32 s11;
	p0 =	por !p0, !p0;
	_ =	swait.ge @!p1 [sflag:s16], $0x2000  }
0x1a: {  	s13 =	smov.u32 s10;
	[sflag:s16] =	ssyncset.done @!p1 $0x0;
	s10 =	smov.u32 s15  }
0x1b: {  	s12 =	sadd.s32 $0x1, s12;
	[sflag:s16] =	ssyncadd.s32 @!p1 $0xFFFFE000;
	s11 =	smov.u32 s17  }
.LBB1_1:
0x1c: {  	p1 =	sge.u32 s12, s5  }
0x1d: {  	s15 =	sand.u32 @!p1 $0x1FFFFFF, s10  }
0x1e: {  	s16 =	smulhi.u32 @!p1 $0x147AE15, s15;
	_ =	sdelay $0x1  }
0x1f: {  	s16 =	smul.u32 @!p1 $0xC8, s16  }
0x20: {  	s17 =	sxor.u32 @!p1 $0xFFFFFFFF, s12;
	s18 =	smul.u32 @!p1 $0xC80, s11  }
0x21: {  	s31 =	sadd.s32 $0xFFFFFFFF, s12;
	s17 =	sshll.u32 @!p1 s17, $0xD;
	s15 =	ssub.s32 @!p1 s15, s16  }
0x22: {  	s16 =	sand.u32 @!p1 $0x2000, s17;
	s17 =	sadd.s32 @!p1 s6, s18;
	s15 =	sshll.u32 @!p1 s15, $0x4  }
0x23: {  	s18 =	simm.s32 @!p1 $0x6400;
	s15 =	sadd.s32 @!p1 s15, s17;
	s17 =	simm.s32 @!p1 $0x40  }
0x24: {  	[tilespmem:s16], [sflag:$0x1] =	stream.strided.gather @!p1 [hbm4b:s15+s17], $0x2000, s18, s17, $0x38;
	[tilespmem:$0x8080] =	vst v63  }
0x25: {  	p1 =	sge.u32 s31, s5  }
.Ltmp2:
0x26: {  	_ = 	snop;
	(pc) =	sbr.rel @p1 .LBB1_5-.Ltmp2, $1  }
0x27: {  	_ =	sdelay $0x3  }
0x28: {  	s15 =	simm.s32 $0x1  }
0x29: {  	_ =	swait.ge [sflag:s4], $0x2000;
	s15 =	simm.s32 @!p0 $0x0  }
0x2a: {  	[sflag:s4] =	ssyncset.done $0x0;
	s16 =	sshll.u32 s15, $0xD  }
0x2b: {  	[sflag:s4] =	ssyncadd.s32 $0xFFFFE000;
	s19 =	sor.u32 $0x20, s16  }
0x2c: {  	s15 =	smul.u32 $0x8100, s15;
	v3 =	vld [tilespmem:s19+$0x10]  }
0x2d: {  	s30 =	sand.u32 $0x1, s12;
	v2 =	vld [tilespmem:s19+$0xFFFFFFF0]  }
0x2e: {  	s16 =	smul.u32 $0x8100, s30;
	s15 =	sshrl.u32 s15, $0x2;
	v0 =	vld [tilespmem:s19+$0x0]  }
0x2f: {  	v1 =	vld [tilespmem:s19+$0xFFFFFFE0];
	s17 =	sor.u32 $0x4000, s15  }
0x30: {  	s31 =	sshrl.u32 s16, $0x2;
	s16 =	sadd.s32 $0x0, s17  }
0x31: {  	s18 =	simm.s32 $0x4;
	s19 =	sadd.s32 $0x40, s19;
	s15 =	sor.u32 $0x4000, s31;
	[tilespmem:s16+$0x1830 ss:$0x81] =	vst.msk $0xffff, v3  }
.LBB1_3:
0x32: {  	v3 =	vld [tilespmem:s19+$0x10];
	p1 =	sne.s32 s18, $0x1FC;
	[tilespmem:s16+$0x810 ss:$0x81] =	vst.msk $0xffff, v2;
	s20 =	smov.u32 s18;
	s18 =	sadd.s32 $0x4, s18  }
.Ltmp3:
0x33: {  	v2 =	vld [tilespmem:s19+$0xFFFFFFF0];
	[tilespmem:s16+$0x1020 ss:$0x81] =	vst.msk $0xffff, v0;
	(pc) =	sbr.rel @p1 .LBB1_3-.Ltmp3, $4  }
0x34: {  	v0 =	vld [tilespmem:s19+$0x0];
	[tilespmem:s16+$0x0 ss:$0x81] =	vst.msk $0xffff, v1  }
0x35: {  	s16 =	sshra.s32 s20, $0x2;
	v1 =	vld [tilespmem:s19+$0xFFFFFFE0]  }
0x36: {  	s16 =	sadd.s32 s16, s17  }
0x37: {  	s19 =	sadd.s32 $0x40, s19;
	[tilespmem:s16+$0x1830 ss:$0x81] =	vst.msk $0xffff, v3  }
.Ltmp4:
0x38: {  	_ = 	snop;
	(pc) =	sbr.rel .LBB1_4-.Ltmp4, $1  }
0x39: {  	_ =	sdelay $0x3  }
.LBB1_6:
0x3a: {  	_ =	sfence.sel $0x180000  }
0x3b: {  	s2 =	simm.s32 $0x1;
	[bflag:$0x0] =	sbarrier.arrive $0xFFFF  }
0x3c: {  	s31 =	simm.s32 $0x2;
	[sflag:s2] =	ssyncpa.u1 $0x1  }
0x3d: {  	[sflag:s31] =	ssyncpa.u1 $0x1  }
0x3e: {  	p0 =	sne.s32 s0, $0x0;
	_ =	strace $0x9000004A  }
0x3f: {  	s0 =	sadd.s32 @!p0 $0x100000, s1;
	[bflag:$0x2] =	sbarrier.arrive $0xFFFF  }
0x40: {  	[sflag:s0] =	ssyncadd.tile.s32 @!p0 $0x1;
	_ =	shalt  }
.Lfunc_end1:
_tile_overlayer_lowered:
.L_overlay_start_2:
0x41: {  	(tag) =	ssettag $0x2  }
0x42: {  	s0 =	rddreg [dreg:$0x0];
	s2 =	stileid.u32  }
0x43: {  	s1 =	rddreg [dreg:$0x1];
	p0 =	sne.s32 s2, $0x0  }
0x44: {  	s3 =	rddreg [dreg:$0x2];
	[bflag:$0x3] =	sbarrier.arrive $0xFFFF;
	s2 =	simm.s32 @!p0 $0x1C01  }
0x45: {  	[timem:s3], [sflag:s2] =	dma.local @!p0 [hbm:s0], s1  }
0x46: {  	s0 =	simm.s32 @!p0 $0x1  }
0x47: {  	_ =	swait.ge @!p0 [sflag:s0], s1  }
0x48: {  	s1 =	ssub.s32 @!p0 $0x0, s1;
	[sflag:s0] =	ssyncset.done @!p0 $0x0  }
0x49: {  	[sflag:s0] =	ssyncadd.s32 @!p0 s1  }
0x4a: {  	[bflag:$0x3] =	sbarrier.arrive $0xFFFF  }
0x4b: {  	_ =	shalt  }

</sc_bundles>
